<compile_context>
chip_gen: v7x
topology: tpu7x:2x2x1
jax: 0.10.2.dev20260603
libtpu: 0.0.44.dev20260713+nightly
codegen_flags: <defaults>
</compile_context>

<pallas_src>
import functools

import jax
import jax.numpy as jnp
from jax import lax
from jax.experimental import pallas as pl
from jax.experimental.pallas import tpu as pltpu
from jax.experimental.pallas import tpu_sc as plsc

N = 10000
E = 320000
H = 128
G = 128
NC, NS, LANES = 2, 16, 16
NW = NC * NS
C = 128
CHUNKS = 79
CHUNKS_ST = CHUNKS + 1
C2 = 2 * C
M_ST = 24
M_STAGES = ((0, 0, 20), (16, 4, 20))
E_PAD = NW * CHUNKS * C
ACC_ROWS = 10240
ZROWS = ACC_ROWS // NS
DUMMY = N

@functools.cache
def _get_mesh():
    return plsc.VectorSubcoreMesh(
        core_axis_name="c", subcore_axis_name="s", num_cores=NC, num_subcores=NS)


_HIGH = lax.Precision.HIGHEST


def _fill(buf, rows, cols, val):
    @pl.loop(0, rows)
    def _(r):
        @pl.loop(0, cols, step=LANES)
        def _(cc):
            buf[r, pl.ds(cc, LANES)] = jnp.full((LANES,), val, buf.dtype)


def _deg_body(dst_hbm, out_hbm, didx, buf, acc, sem):
    cid = lax.axis_index("c")
    sid = lax.axis_index("s")
    wid = cid * NS + sid
    pltpu.sync_copy(dst_hbm.at[wid], didx)
    _fill(buf, C, LANES, 0.0)
    base = sid * ZROWS
    for k in range(ZROWS // C):
        pltpu.sync_copy(buf, acc.at[pl.ds(base + k * C, C)])
    _fill(buf, C, LANES, 1.0)
    plsc.subcore_barrier()

    @pl.loop(0, CHUNKS)
    def _(j):
        pltpu.sync_copy(buf, acc.at[didx.at[j]], add=True)

    plsc.subcore_barrier()
    pltpu.sync_copy(acc.at[pl.ds(base, ZROWS)],
                    out_hbm.at[cid, pl.ds(base, ZROWS)])


def _mp_body(xs_hbm, src_hbm, dst_hbm, out_hbm, sidx, didx, gbuf_a, acc,
             sem_a):
    cid = lax.axis_index("c")
    sid = lax.axis_index("s")
    wid = cid * NS + sid
    _fill(gbuf_a, C, H, 0.0)
    base = sid * ZROWS
    for k in range(ZROWS // C):
        pltpu.sync_copy(gbuf_a, acc.at[pl.ds(base + k * C, C)])
    plsc.subcore_barrier()

    pltpu.sync_copy(src_hbm.at[wid], sidx)
    pltpu.sync_copy(dst_hbm.at[wid], didx)

    @pl.loop(0, CHUNKS)
    def _(j):
        pltpu.async_copy(xs_hbm.at[sidx.at[j]], gbuf_a, sem_a).wait()
        pltpu.sync_copy(gbuf_a, acc.at[didx.at[j]], add=True)

    plsc.subcore_barrier()
    pltpu.sync_copy(acc.at[pl.ds(base, ZROWS)],
                    out_hbm.at[cid, pl.ds(base, ZROWS)])


def _xw_body(x_ref, w_ref, xw_ref):
    xw_ref[...] = jnp.dot(x_ref[...], w_ref[...],
                          preferred_element_type=jnp.float32, precision=_HIGH)


def _prep_body(deg2_ref, xw_ref, xs_ref, dinv_ref):
    d0 = deg2_ref[0]
    d1 = deg2_ref[1]
    deg = d0[:N, 0:1] + d1[:N, 0:1] + 1.0
    dinv = lax.rsqrt(deg)
    dinv_ref[...] = dinv
    xs_ref[...] = xw_ref[...] * dinv


def _bn_relu(conv, g, be):
    m = jnp.mean(conv, axis=0, keepdims=True)
    cc = conv - m
    v = jnp.mean(cc * cc, axis=0, keepdims=True)
    return jnp.maximum(cc * lax.rsqrt(v + 1e-5) * g + be, 0.0)


def _conv_body(p_ref, xs_ref, dinv_ref, b_ref, conv_ref):
    conv_ref[...] = ((p_ref[0][:N] + p_ref[1][:N] + xs_ref[...])
                     * dinv_ref[...] + b_ref[...])


def _bn1_body(conv_ref, g_ref, be_ref, dinv_ref, w_ref, h_ref, xsn_ref):
    h = _bn_relu(conv_ref[...], g_ref[...], be_ref[...])
    h_ref[...] = h
    xsn_ref[...] = jnp.dot(h, w_ref[...], preferred_element_type=jnp.float32,
                           precision=_HIGH) * dinv_ref[...]


def _bn2_body(conv_ref, g_ref, be_ref, res_ref, dinv_ref, w_ref,
              h_ref, xsn_ref):
    h = _bn_relu(conv_ref[...], g_ref[...], be_ref[...]) + res_ref[...]
    h_ref[...] = h
    xsn_ref[...] = jnp.dot(h, w_ref[...], preferred_element_type=jnp.float32,
                           precision=_HIGH) * dinv_ref[...]


def _bn3_body(conv_ref, g_ref, be_ref, res_ref, h_ref):
    h_ref[...] = _bn_relu(conv_ref[...], g_ref[...], be_ref[...]) + res_ref[...]


def _final_body(h_ref, batch_ref, mw1a_ref, mw1b_ref, mb1_ref, mw2_ref,
                mb2_ref, out_ref):
    h = h_ref[...]
    gids = lax.broadcasted_iota(jnp.int32, (G, N), 0)
    mask = (gids == batch_ref[...]).astype(jnp.float32)
    xs_pool = jnp.dot(mask, h, preferred_element_type=jnp.float32,
                      precision=_HIGH)
    cnt = jnp.sum(mask, axis=1, keepdims=True)
    xm = xs_pool / jnp.maximum(cnt, 1.0)
    z = jnp.dot(xs_pool, mw1a_ref[...], preferred_element_type=jnp.float32,
                precision=_HIGH)
    z = z + jnp.dot(xm, mw1b_ref[...], preferred_element_type=jnp.float32,
                    precision=_HIGH)
    z = jnp.maximum(z + mb1_ref[...], 0.0)
    out_ref[...] = jnp.dot(z, mw2_ref[...], preferred_element_type=jnp.float32,
                           precision=_HIGH) + mb2_ref[...]


def _sds(shape):
    return jax.ShapeDtypeStruct(shape, jnp.float32)


@functools.cache
def _get_deg_kernel():
    return pl.kernel(
        _deg_body,
        out_type=jax.ShapeDtypeStruct((NC, ACC_ROWS, LANES), jnp.float32),
        mesh=_get_mesh(),
        scratch_types=[
            pltpu.VMEM((CHUNKS_ST, C), jnp.int32),
            pltpu.VMEM((C, LANES), jnp.float32),
            pltpu.VMEM_SHARED((ACC_ROWS, LANES), jnp.float32),
            pltpu.SemaphoreType.DMA,
        ],
    )


@functools.cache
def _get_mp_kernel():
    return pl.kernel(
        _mp_body,
        out_type=jax.ShapeDtypeStruct((NC, ACC_ROWS, H), jnp.float32),
        mesh=_get_mesh(),
        scratch_types=[
            pltpu.VMEM((CHUNKS_ST, C), jnp.int32),
            pltpu.VMEM((CHUNKS_ST, C), jnp.int32),
            pltpu.VMEM((C, H), jnp.float32),
            pltpu.VMEM_SHARED((ACC_ROWS, H), jnp.float32),
            pltpu.SemaphoreType.DMA,
        ],
    )


def kernel(x, edge_index, batch, W1, b1, g1, be1, W2, b2, g2, be2,
           W3, b3, g3, be3, MW1, Mb1, MW2, Mb2):
    pad = E_PAD - E
    pad_i = jnp.arange(pad, dtype=jnp.int32)
    pad_src = pad_i % N
    pad_dst = N + (pad_i % (ACC_ROWS - N))
    srcp = jnp.concatenate(
        [edge_index[0], pad_src]).reshape(NW, CHUNKS, C)
    dstp = jnp.concatenate(
        [edge_index[1], pad_dst]).reshape(NW, CHUNKS, C)
    ext = CHUNKS_ST - CHUNKS
    srcp = jnp.concatenate([srcp, jnp.zeros((NW, ext, C), jnp.int32)], axis=1)
    dstp = jnp.concatenate(
        [dstp, jnp.full((NW, ext, C), DUMMY, jnp.int32)], axis=1)
    batch2 = batch.reshape(1, N)
    b1r, g1r, be1r = b1.reshape(1, H), g1.reshape(1, H), be1.reshape(1, H)
    b2r, g2r, be2r = b2.reshape(1, H), g2.reshape(1, H), be2.reshape(1, H)
    b3r, g3r, be3r = b3.reshape(1, H), g3.reshape(1, H), be3.reshape(1, H)
    mw1a, mw1b = MW1[:H], MW1[H:]
    mb1 = Mb1.reshape(1, H)
    mb2 = Mb2.reshape(1, 1)

    deg2 = _get_deg_kernel()(dstp)
    xw1 = pl.pallas_call(_xw_body, out_shape=_sds((N, H)))(x, W1)
    xs1, dinv = pl.pallas_call(
        _prep_body, out_shape=(_sds((N, H)), _sds((N, 1))))(deg2, xw1)

    p1 = _get_mp_kernel()(xs1, srcp, dstp)
    conv1 = pl.pallas_call(_conv_body, out_shape=_sds((N, H)))(
        p1, xs1, dinv, b1r)
    h1, xs2 = pl.pallas_call(
        _bn1_body, out_shape=(_sds((N, H)), _sds((N, H))))(
            conv1, g1r, be1r, dinv, W2)

    p2 = _get_mp_kernel()(xs2, srcp, dstp)
    conv2 = pl.pallas_call(_conv_body, out_shape=_sds((N, H)))(
        p2, xs2, dinv, b2r)
    h2, xs3 = pl.pallas_call(
        _bn2_body, out_shape=(_sds((N, H)), _sds((N, H))))(
            conv2, g2r, be2r, h1, dinv, W3)

    p3 = _get_mp_kernel()(xs3, srcp, dstp)
    conv3 = pl.pallas_call(_conv_body, out_shape=_sds((N, H)))(
        p3, xs3, dinv, b3r)
    h3 = pl.pallas_call(_bn3_body, out_shape=_sds((N, H)))(
        conv3, g3r, be3r, h2)
    out = pl.pallas_call(_final_body, out_shape=_sds((G, 1)))(
        h3, batch2, mw1a, mw1b, mb1, MW2, mb2)
    return out

# --- scband reference (transcript-rebuilt; emitter-appended) ---
"""Pipeline reference for scband-gcn-v3-5652176962025 (READ-ONLY COPY).

The authoritative reference and input builder live on the scoring server;
editing this copy changes nothing except your own understanding.
"""

import jax, jax.numpy as jnp
import numpy as np

N = 10000; E = 320000; FIN = 128; H = 128; G = 128

def _gcn_conv(x, src, dst, W, b):
    deg = jax.ops.segment_sum(jnp.ones(src.shape[0], dtype=x.dtype), dst, num_segments=N)
    dinv = jax.lax.rsqrt(jnp.maximum(deg, 1.0))
    norm = dinv[src] * dinv[dst]
    xw = x @ W
    out = jax.ops.segment_sum(xw[src] * norm[:, None], dst, num_segments=N)
    return out + b

def _bn(x, g, b, eps=1e-5):
    m = jnp.mean(x, axis=0)
    v = jnp.var(x, axis=0)
    return (x - m) * jax.lax.rsqrt(v + eps) * g + b

def setup_inputs(seed: int = 0):
    key = jax.random.key(seed)
    ks = jax.random.split(key, 20)
    def glorot(k, shape):
        lim = float(np.sqrt(6.0 / (shape[0] + shape[1])))
        return jax.random.uniform(k, shape, dtype=jnp.float32, minval=-lim, maxval=lim)
    inp = {}
    inp["x"] = jax.random.normal(ks[0], (N, FIN), dtype=jnp.float32)
    inp["edge_index"] = jax.random.randint(ks[1], (2, E), 0, N, dtype=jnp.int32)
    inp["batch"] = jnp.sort(jax.random.randint(ks[2], (N,), 0, G, dtype=jnp.int32))
    inp["W1"] = glorot(ks[3], (FIN, H)); inp["b1"] = jnp.zeros((H,), jnp.float32)
    inp["g1"] = jnp.ones((H,), jnp.float32); inp["be1"] = jnp.zeros((H,), jnp.float32)
    inp["W2"] = glorot(ks[4], (H, H)); inp["b2"] = jnp.zeros((H,), jnp.float32)
    inp["g2"] = jnp.ones((H,), jnp.float32); inp["be2"] = jnp.zeros((H,), jnp.float32)
    inp["W3"] = glorot(ks[5], (H, H)); inp["b3"] = jnp.zeros((H,), jnp.float32)
    inp["g3"] = jnp.ones((H,), jnp.float32); inp["be3"] = jnp.zeros((H,), jnp.float32)
    inp["MW1"] = glorot(ks[6], (2 * H, H)); inp["Mb1"] = jnp.zeros((H,), jnp.float32)
    inp["MW2"] = glorot(ks[7], (H, 1)); inp["Mb2"] = jnp.zeros((1,), jnp.float32)
    return inp

def reference(x, edge_index, batch, W1, b1, g1, be1, W2, b2, g2, be2, W3, b3, g3, be3, MW1, Mb1, MW2, Mb2):
    sl = jnp.arange(N, dtype=edge_index.dtype)
    src = jnp.concatenate([edge_index[0], sl])
    dst = jnp.concatenate([edge_index[1], sl])
    h = jax.nn.relu(_bn(_gcn_conv(x, src, dst, W1, b1), g1, be1))
    res = h
    h = jax.nn.relu(_bn(_gcn_conv(h, src, dst, W2, b2), g2, be2)) + res
    res = h
    h = jax.nn.relu(_bn(_gcn_conv(h, src, dst, W3, b3), g3, be3)) + res
    xs = jax.ops.segment_sum(h, batch, num_segments=G)
    cnt = jax.ops.segment_sum(jnp.ones((N,), h.dtype), batch, num_segments=G)
    xm = xs / jnp.maximum(cnt, 1.0)[:, None]
    z = jnp.concatenate([xs, xm], axis=-1)
    z = jax.nn.relu(z @ MW1 + Mb1)
    return z @ MW2 + Mb2

if __name__ == "__main__":
    import jax
    _d = setup_inputs()
    print(jax.jit(kernel)(*tuple(_d.values())))

</pallas_src>

<mosaic_0001>
#map = affine_map<(d0, d1) -> (0, 0, 0)>
module attributes {stable_mosaic.version = 14 : i64} {
  func.func @_deg_body(%arg0: i32, %arg1: i32, %arg2: memref<32x80x128xi32, #tpu.memory_space<hbm>>, %arg3: memref<2x10240x16xf32, #tpu.memory_space<hbm>>, %arg4: memref<80x128xi32, #tpu.memory_space<vmem>>, %arg5: memref<128x16xf32, #tpu.memory_space<vmem>>, %arg6: memref<10240x16xf32, #tpu.memory_space<vmem_shared>>, %arg7: memref<!tpu.dma_semaphore, #tpu.memory_space<semaphore_mem>>) attributes {dimension_semantics = [#tpu.dimension_semantics<core_parallel>, #tpu.dimension_semantics<subcore_parallel>], iteration_bounds = array<i64: 2, 16>, scalar_prefetch = 0 : i64, scratch_operands = 4 : i64, tpu.core_type = #tpu.core_type<sc_vector_subcore>, window_params = [{transform_indices = #map}, {transform_indices = #map}]} {
    %mul3A = arith.constant 16 : i32
    %mul3A_0 = arith.muli %arg0, %mul3A : i32
    %add3A = arith.addi %mul3A_0, %arg1 : i32
    "tpu.region"() ({
      %run_scoped3A = tpu.sem_alloc : memref<!tpu.dma_semaphore, #tpu.memory_space<semaphore_mem>>
      %dma_start3A = arith.constant 0 : i32
      %dma_start3A_28 = arith.constant 0 : i32
      %dma_start3A_29 = tpu.memref_slice %arg2[%add3A, %dma_start3A, %dma_start3A_28] : memref<32x80x128xi32, #tpu.memory_space<hbm>> -> memref<1x80x128xi32, #tpu.memory_space<hbm>>
      %dma_start3A_30 = tpu.memref_squeeze %dma_start3A_29 : memref<1x80x128xi32, #tpu.memory_space<hbm>> -> memref<80x128xi32, #tpu.memory_space<hbm>>
      %dma_start3A_31 = arith.constant 0 : i32
      %dma_start3A_32 = arith.constant 0 : i32
      %dma_start3A_33 = tpu.memref_slice %arg2[%add3A, %dma_start3A_31, %dma_start3A_32] : memref<32x80x128xi32, #tpu.memory_space<hbm>> -> memref<1x80x128xi32, #tpu.memory_space<hbm>>
      %dma_start3A_34 = tpu.memref_squeeze %dma_start3A_33 : memref<1x80x128xi32, #tpu.memory_space<hbm>> -> memref<80x128xi32, #tpu.memory_space<hbm>>
      tpu.enqueue_dma source(%dma_start3A_34 : memref<80x128xi32, #tpu.memory_space<hbm>>) target(%arg4 : memref<80x128xi32, #tpu.memory_space<vmem>>) target_semaphore(%run_scoped3A : memref<!tpu.dma_semaphore, #tpu.memory_space<semaphore_mem>>)
      %dma_wait3A = arith.constant 0 : i32
      %dma_wait3A_35 = arith.constant 0 : i32
      %dma_wait3A_36 = tpu.memref_slice %arg2[%add3A, %dma_wait3A, %dma_wait3A_35] : memref<32x80x128xi32, #tpu.memory_space<hbm>> -> memref<1x80x128xi32, #tpu.memory_space<hbm>>
      %dma_wait3A_37 = tpu.memref_squeeze %dma_wait3A_36 : memref<1x80x128xi32, #tpu.memory_space<hbm>> -> memref<80x128xi32, #tpu.memory_space<hbm>>
      %dma_wait3A_38 = arith.constant 0 : i32
      %dma_wait3A_39 = arith.constant 0 : i32
      %dma_wait3A_40 = tpu.memref_slice %arg2[%add3A, %dma_wait3A_38, %dma_wait3A_39] : memref<32x80x128xi32, #tpu.memory_space<hbm>> -> memref<1x80x128xi32, #tpu.memory_space<hbm>>
      %dma_wait3A_41 = tpu.memref_squeeze %dma_wait3A_40 : memref<1x80x128xi32, #tpu.memory_space<hbm>> -> memref<80x128xi32, #tpu.memory_space<hbm>>
      tpu.wait_dma2 semaphore(%run_scoped3A : memref<!tpu.dma_semaphore, #tpu.memory_space<semaphore_mem>>) src(%dma_wait3A_41 : memref<80x128xi32, #tpu.memory_space<hbm>>) dst(%arg4 : memref<80x128xi32, #tpu.memory_space<vmem>>)
      tpu.yield
    }) : () -> ()
    %scan3A = arith.constant 0 : i32
    %scan3A_1 = arith.constant 128 : i32
    %scan3A_2 = arith.addi %scan3A, %scan3A_1 : i32
    %scan3A_3 = arith.constant 1 : i32
    scf.for %scan3A_28 = %scan3A to %scan3A_2 step %scan3A_3  : i32 {
      %mul3A_29 = arith.constant 1 : i32
      %mul3A_30 = arith.muli %scan3A_28, %mul3A_29 : i32
      %add3A_31 = arith.constant 0 : i32
      %add3A_32 = arith.addi %add3A_31, %mul3A_30 : i32
      %scan3A_33 = arith.constant 0 : i32
      %mul3A_34 = arith.constant 16 : i32
      %mul3A_35 = arith.muli %scan3A_33, %mul3A_34 : i32
      %add3A_36 = arith.constant 0 : i32
      %add3A_37 = arith.addi %add3A_36, %mul3A_35 : i32
      %broadcast_in_dim3A = arith.constant 0.000000e+00 : f32
      %broadcast_in_dim3A_38 = vector.broadcast %broadcast_in_dim3A : f32 to vector<16xf32>
      %swap3A = arith.index_cast %add3A_32 : i32 to index
      %swap3A_39 = arith.index_cast %add3A_37 : i32 to index
      %swap3A_40 = tpu.vector_load %arg5[%swap3A, %swap3A_39] {strides = array<i32>} : memref<128x16xf32, #tpu.memory_space<vmem>>, vector<1x16xf32>,
      %swap3A_41 = vector.shape_cast %swap3A_40 : vector<1x16xf32> to vector<16xf32>
      %swap3A_42 = vector.shape_cast %broadcast_in_dim3A_38 : vector<16xf32> to vector<1x16xf32>
      tpu.vector_store %arg5[%swap3A, %swap3A_39], %swap3A_42 {strides = array<i32>} : memref<128x16xf32, #tpu.memory_space<vmem>>, vector<1x16xf32>,
      %scan3A_43 = arith.constant 1 : i32
    }
    %scan3A_4 = arith.constant 128 : i32
    %mul3A_5 = arith.constant 640 : i32
    %mul3A_6 = arith.muli %arg1, %mul3A_5 : i32
    %add3A_7 = arith.constant 0 : i32
    %add3A_8 = arith.addi %mul3A_6, %add3A_7 : i32
    "tpu.region"() ({
      %run_scoped3A = tpu.sem_alloc : memref<!tpu.dma_semaphore, #tpu.memory_space<semaphore_mem>>
      %dma_start3A = arith.constant 0 : i32
      %dma_start3A_28 = tpu.memref_slice %arg6[%add3A_8, %dma_start3A] : memref<10240x16xf32, #tpu.memory_space<vmem_shared>> -> memref<128x16xf32, #tpu.memory_space<vmem_shared>>
      %dma_start3A_29 = arith.constant 0 : i32
      %dma_start3A_30 = tpu.memref_slice %arg6[%add3A_8, %dma_start3A_29] : memref<10240x16xf32, #tpu.memory_space<vmem_shared>> -> memref<128x16xf32, #tpu.memory_space<vmem_shared>>
      tpu.enqueue_dma source(%arg5 : memref<128x16xf32, #tpu.memory_space<vmem>>) target(%dma_start3A_30 : memref<128x16xf32, #tpu.memory_space<vmem_shared>>) target_semaphore(%run_scoped3A : memref<!tpu.dma_semaphore, #tpu.memory_space<semaphore_mem>>)
      %dma_wait3A = arith.constant 0 : i32
      %dma_wait3A_31 = tpu.memref_slice %arg6[%add3A_8, %dma_wait3A] : memref<10240x16xf32, #tpu.memory_space<vmem_shared>> -> memref<128x16xf32, #tpu.memory_space<vmem_shared>>
      %dma_wait3A_32 = arith.constant 0 : i32
      %dma_wait3A_33 = tpu.memref_slice %arg6[%add3A_8, %dma_wait3A_32] : memref<10240x16xf32, #tpu.memory_space<vmem_shared>> -> memref<128x16xf32, #tpu.memory_space<vmem_shared>>
      tpu.wait_dma2 semaphore(%run_scoped3A : memref<!tpu.dma_semaphore, #tpu.memory_space<semaphore_mem>>) src(%arg5 : memref<128x16xf32, #tpu.memory_space<vmem>>) dst(%dma_wait3A_33 : memref<128x16xf32, #tpu.memory_space<vmem_shared>>)
      tpu.yield
    }) : () -> ()
    %add3A_9 = arith.constant 128 : i32
    %add3A_10 = arith.addi %mul3A_6, %add3A_9 : i32
    "tpu.region"() ({
      %run_scoped3A = tpu.sem_alloc : memref<!tpu.dma_semaphore, #tpu.memory_space<semaphore_mem>>
      %dma_start3A = arith.constant 0 : i32
      %dma_start3A_28 = tpu.memref_slice %arg6[%add3A_10, %dma_start3A] : memref<10240x16xf32, #tpu.memory_space<vmem_shared>> -> memref<128x16xf32, #tpu.memory_space<vmem_shared>>
      %dma_start3A_29 = arith.constant 0 : i32
      %dma_start3A_30 = tpu.memref_slice %arg6[%add3A_10, %dma_start3A_29] : memref<10240x16xf32, #tpu.memory_space<vmem_shared>> -> memref<128x16xf32, #tpu.memory_space<vmem_shared>>
      tpu.enqueue_dma source(%arg5 : memref<128x16xf32, #tpu.memory_space<vmem>>) target(%dma_start3A_30 : memref<128x16xf32, #tpu.memory_space<vmem_shared>>) target_semaphore(%run_scoped3A : memref<!tpu.dma_semaphore, #tpu.memory_space<semaphore_mem>>)
      %dma_wait3A = arith.constant 0 : i32
      %dma_wait3A_31 = tpu.memref_slice %arg6[%add3A_10, %dma_wait3A] : memref<10240x16xf32, #tpu.memory_space<vmem_shared>> -> memref<128x16xf32, #tpu.memory_space<vmem_shared>>
      %dma_wait3A_32 = arith.constant 0 : i32
      %dma_wait3A_33 = tpu.memref_slice %arg6[%add3A_10, %dma_wait3A_32] : memref<10240x16xf32, #tpu.memory_space<vmem_shared>> -> memref<128x16xf32, #tpu.memory_space<vmem_shared>>
      tpu.wait_dma2 semaphore(%run_scoped3A : memref<!tpu.dma_semaphore, #tpu.memory_space<semaphore_mem>>) src(%arg5 : memref<128x16xf32, #tpu.memory_space<vmem>>) dst(%dma_wait3A_33 : memref<128x16xf32, #tpu.memory_space<vmem_shared>>)
      tpu.yield
    }) : () -> ()
    %add3A_11 = arith.constant 256 : i32
    %add3A_12 = arith.addi %mul3A_6, %add3A_11 : i32
    "tpu.region"() ({
      %run_scoped3A = tpu.sem_alloc : memref<!tpu.dma_semaphore, #tpu.memory_space<semaphore_mem>>
      %dma_start3A = arith.constant 0 : i32
      %dma_start3A_28 = tpu.memref_slice %arg6[%add3A_12, %dma_start3A] : memref<10240x16xf32, #tpu.memory_space<vmem_shared>> -> memref<128x16xf32, #tpu.memory_space<vmem_shared>>
      %dma_start3A_29 = arith.constant 0 : i32
      %dma_start3A_30 = tpu.memref_slice %arg6[%add3A_12, %dma_start3A_29] : memref<10240x16xf32, #tpu.memory_space<vmem_shared>> -> memref<128x16xf32, #tpu.memory_space<vmem_shared>>
      tpu.enqueue_dma source(%arg5 : memref<128x16xf32, #tpu.memory_space<vmem>>) target(%dma_start3A_30 : memref<128x16xf32, #tpu.memory_space<vmem_shared>>) target_semaphore(%run_scoped3A : memref<!tpu.dma_semaphore, #tpu.memory_space<semaphore_mem>>)
      %dma_wait3A = arith.constant 0 : i32
      %dma_wait3A_31 = tpu.memref_slice %arg6[%add3A_12, %dma_wait3A] : memref<10240x16xf32, #tpu.memory_space<vmem_shared>> -> memref<128x16xf32, #tpu.memory_space<vmem_shared>>
      %dma_wait3A_32 = arith.constant 0 : i32
      %dma_wait3A_33 = tpu.memref_slice %arg6[%add3A_12, %dma_wait3A_32] : memref<10240x16xf32, #tpu.memory_space<vmem_shared>> -> memref<128x16xf32, #tpu.memory_space<vmem_shared>>
      tpu.wait_dma2 semaphore(%run_scoped3A : memref<!tpu.dma_semaphore, #tpu.memory_space<semaphore_mem>>) src(%arg5 : memref<128x16xf32, #tpu.memory_space<vmem>>) dst(%dma_wait3A_33 : memref<128x16xf32, #tpu.memory_space<vmem_shared>>)
      tpu.yield
    }) : () -> ()
    %add3A_13 = arith.constant 384 : i32
    %add3A_14 = arith.addi %mul3A_6, %add3A_13 : i32
    "tpu.region"() ({
      %run_scoped3A = tpu.sem_alloc : memref<!tpu.dma_semaphore, #tpu.memory_space<semaphore_mem>>
      %dma_start3A = arith.constant 0 : i32
      %dma_start3A_28 = tpu.memref_slice %arg6[%add3A_14, %dma_start3A] : memref<10240x16xf32, #tpu.memory_space<vmem_shared>> -> memref<128x16xf32, #tpu.memory_space<vmem_shared>>
      %dma_start3A_29 = arith.constant 0 : i32
      %dma_start3A_30 = tpu.memref_slice %arg6[%add3A_14, %dma_start3A_29] : memref<10240x16xf32, #tpu.memory_space<vmem_shared>> -> memref<128x16xf32, #tpu.memory_space<vmem_shared>>
      tpu.enqueue_dma source(%arg5 : memref<128x16xf32, #tpu.memory_space<vmem>>) target(%dma_start3A_30 : memref<128x16xf32, #tpu.memory_space<vmem_shared>>) target_semaphore(%run_scoped3A : memref<!tpu.dma_semaphore, #tpu.memory_space<semaphore_mem>>)
      %dma_wait3A = arith.constant 0 : i32
      %dma_wait3A_31 = tpu.memref_slice %arg6[%add3A_14, %dma_wait3A] : memref<10240x16xf32, #tpu.memory_space<vmem_shared>> -> memref<128x16xf32, #tpu.memory_space<vmem_shared>>
      %dma_wait3A_32 = arith.constant 0 : i32
      %dma_wait3A_33 = tpu.memref_slice %arg6[%add3A_14, %dma_wait3A_32] : memref<10240x16xf32, #tpu.memory_space<vmem_shared>> -> memref<128x16xf32, #tpu.memory_space<vmem_shared>>
      tpu.wait_dma2 semaphore(%run_scoped3A : memref<!tpu.dma_semaphore, #tpu.memory_space<semaphore_mem>>) src(%arg5 : memref<128x16xf32, #tpu.memory_space<vmem>>) dst(%dma_wait3A_33 : memref<128x16xf32, #tpu.memory_space<vmem_shared>>)
      tpu.yield
    }) : () -> ()
    %add3A_15 = arith.constant 512 : i32
    %add3A_16 = arith.addi %mul3A_6, %add3A_15 : i32
    "tpu.region"() ({
      %run_scoped3A = tpu.sem_alloc : memref<!tpu.dma_semaphore, #tpu.memory_space<semaphore_mem>>
      %dma_start3A = arith.constant 0 : i32
      %dma_start3A_28 = tpu.memref_slice %arg6[%add3A_16, %dma_start3A] : memref<10240x16xf32, #tpu.memory_space<vmem_shared>> -> memref<128x16xf32, #tpu.memory_space<vmem_shared>>
      %dma_start3A_29 = arith.constant 0 : i32
      %dma_start3A_30 = tpu.memref_slice %arg6[%add3A_16, %dma_start3A_29] : memref<10240x16xf32, #tpu.memory_space<vmem_shared>> -> memref<128x16xf32, #tpu.memory_space<vmem_shared>>
      tpu.enqueue_dma source(%arg5 : memref<128x16xf32, #tpu.memory_space<vmem>>) target(%dma_start3A_30 : memref<128x16xf32, #tpu.memory_space<vmem_shared>>) target_semaphore(%run_scoped3A : memref<!tpu.dma_semaphore, #tpu.memory_space<semaphore_mem>>)
      %dma_wait3A = arith.constant 0 : i32
      %dma_wait3A_31 = tpu.memref_slice %arg6[%add3A_16, %dma_wait3A] : memref<10240x16xf32, #tpu.memory_space<vmem_shared>> -> memref<128x16xf32, #tpu.memory_space<vmem_shared>>
      %dma_wait3A_32 = arith.constant 0 : i32
      %dma_wait3A_33 = tpu.memref_slice %arg6[%add3A_16, %dma_wait3A_32] : memref<10240x16xf32, #tpu.memory_space<vmem_shared>> -> memref<128x16xf32, #tpu.memory_space<vmem_shared>>
      tpu.wait_dma2 semaphore(%run_scoped3A : memref<!tpu.dma_semaphore, #tpu.memory_space<semaphore_mem>>) src(%arg5 : memref<128x16xf32, #tpu.memory_space<vmem>>) dst(%dma_wait3A_33 : memref<128x16xf32, #tpu.memory_space<vmem_shared>>)
      tpu.yield
    }) : () -> ()
    %scan3A_17 = arith.constant 0 : i32
    %scan3A_18 = arith.constant 128 : i32
    %scan3A_19 = arith.addi %scan3A_17, %scan3A_18 : i32
    %scan3A_20 = arith.constant 1 : i32
    scf.for %scan3A_28 = %scan3A_17 to %scan3A_19 step %scan3A_20  : i32 {
      %mul3A_29 = arith.constant 1 : i32
      %mul3A_30 = arith.muli %scan3A_28, %mul3A_29 : i32
      %add3A_31 = arith.constant 0 : i32
      %add3A_32 = arith.addi %add3A_31, %mul3A_30 : i32
      %scan3A_33 = arith.constant 0 : i32
      %mul3A_34 = arith.constant 16 : i32
      %mul3A_35 = arith.muli %scan3A_33, %mul3A_34 : i32
      %add3A_36 = arith.constant 0 : i32
      %add3A_37 = arith.addi %add3A_36, %mul3A_35 : i32
      %broadcast_in_dim3A = arith.constant 1.000000e+00 : f32
      %broadcast_in_dim3A_38 = vector.broadcast %broadcast_in_dim3A : f32 to vector<16xf32>
      %swap3A = arith.index_cast %add3A_32 : i32 to index
      %swap3A_39 = arith.index_cast %add3A_37 : i32 to index
      %swap3A_40 = tpu.vector_load %arg5[%swap3A, %swap3A_39] {strides = array<i32>} : memref<128x16xf32, #tpu.memory_space<vmem>>, vector<1x16xf32>,
      %swap3A_41 = vector.shape_cast %swap3A_40 : vector<1x16xf32> to vector<16xf32>
      %swap3A_42 = vector.shape_cast %broadcast_in_dim3A_38 : vector<16xf32> to vector<1x16xf32>
      tpu.vector_store %arg5[%swap3A, %swap3A_39], %swap3A_42 {strides = array<i32>} : memref<128x16xf32, #tpu.memory_space<vmem>>, vector<1x16xf32>,
      %scan3A_43 = arith.constant 1 : i32
    }
    %scan3A_21 = arith.constant 128 : i32
    %barrier3A = arith.constant 0 : index
    tpu.barrier barrier_id(%barrier3A)
    %scan3A_22 = arith.constant 0 : i32
    %scan3A_23 = arith.constant 79 : i32
    %scan3A_24 = arith.addi %scan3A_22, %scan3A_23 : i32
    %scan3A_25 = arith.constant 1 : i32
    scf.for %scan3A_28 = %scan3A_22 to %scan3A_24 step %scan3A_25  : i32 {
      %mul3A_29 = arith.constant 1 : i32
      %mul3A_30 = arith.muli %scan3A_28, %mul3A_29 : i32
      %add3A_31 = arith.constant 0 : i32
      %add3A_32 = arith.addi %add3A_31, %mul3A_30 : i32
      "tpu.region"() ({
        %run_scoped3A = tpu.sem_alloc : memref<!tpu.dma_semaphore, #tpu.memory_space<semaphore_mem>>
        %dma_start3A = arith.constant 0 : i32
        %dma_start3A_33 = tpu.memref_slice %arg4[%add3A_32, %dma_start3A] : memref<80x128xi32, #tpu.memory_space<vmem>> -> memref<1x128xi32, #tpu.memory_space<vmem>>
        %dma_start3A_34 = tpu.memref_squeeze %dma_start3A_33 : memref<1x128xi32, #tpu.memory_space<vmem>> -> memref<128xi32, #tpu.memory_space<vmem>>
        %dma_start3A_35 = arith.constant 0 : i32
        %dma_start3A_36 = arith.constant 0 : i32
        %dma_start3A_37 = tpu.memref_slice %arg6[%dma_start3A_35, %dma_start3A_36] : memref<10240x16xf32, #tpu.memory_space<vmem_shared>> -> memref<10240x16xf32, #tpu.memory_space<vmem_shared>>
        tpu.enqueue_indirect_dma source(%arg5 : memref<128x16xf32, #tpu.memory_space<vmem>>) target(%dma_start3A_37 : memref<10240x16xf32, #tpu.memory_space<vmem_shared>>) offsets(%dma_start3A_34 : memref<128xi32, #tpu.memory_space<vmem>>) semaphore(%run_scoped3A : memref<!tpu.dma_semaphore, #tpu.memory_space<semaphore_mem>>) {add = true}
        %dma_wait3A = arith.constant 0 : i32
        %dma_wait3A_38 = tpu.memref_slice %arg4[%add3A_32, %dma_wait3A] : memref<80x128xi32, #tpu.memory_space<vmem>> -> memref<1x128xi32, #tpu.memory_space<vmem>>
        %dma_wait3A_39 = tpu.memref_squeeze %dma_wait3A_38 : memref<1x128xi32, #tpu.memory_space<vmem>> -> memref<128xi32, #tpu.memory_space<vmem>>
        %dma_wait3A_40 = arith.constant 0 : i32
        %dma_wait3A_41 = arith.constant 0 : i32
        %dma_wait3A_42 = tpu.memref_slice %arg6[%dma_wait3A_40, %dma_wait3A_41] : memref<10240x16xf32, #tpu.memory_space<vmem_shared>> -> memref<10240x16xf32, #tpu.memory_space<vmem_shared>>
        tpu.wait_indirect_dma semaphore(%run_scoped3A : memref<!tpu.dma_semaphore, #tpu.memory_space<semaphore_mem>>) src(%arg5 : memref<128x16xf32, #tpu.memory_space<vmem>>) dst(%dma_wait3A_42 : memref<10240x16xf32, #tpu.memory_space<vmem_shared>>)
        tpu.yield
      }) : () -> ()
    }
    %scan3A_26 = arith.constant 79 : i32
    %barrier3A_27 = arith.constant 0 : index
    tpu.barrier barrier_id(%barrier3A_27)
    "tpu.region"() ({
      %run_scoped3A = tpu.sem_alloc : memref<!tpu.dma_semaphore, #tpu.memory_space<semaphore_mem>>
      %dma_start3A = arith.constant 0 : i32
      %dma_start3A_28 = tpu.memref_slice %arg3[%arg0, %mul3A_6, %dma_start3A] : memref<2x10240x16xf32, #tpu.memory_space<hbm>> -> memref<1x640x16xf32, #tpu.memory_space<hbm>>
      %dma_start3A_29 = tpu.memref_squeeze %dma_start3A_28 : memref<1x640x16xf32, #tpu.memory_space<hbm>> -> memref<640x16xf32, #tpu.memory_space<hbm>>
      %dma_start3A_30 = arith.constant 0 : i32
      %dma_start3A_31 = tpu.memref_slice %arg6[%mul3A_6, %dma_start3A_30] : memref<10240x16xf32, #tpu.memory_space<vmem_shared>> -> memref<640x16xf32, #tpu.memory_space<vmem_shared>>
      tpu.enqueue_dma source(%dma_start3A_31 : memref<640x16xf32, #tpu.memory_space<vmem_shared>>) target(%dma_start3A_29 : memref<640x16xf32, #tpu.memory_space<hbm>>) target_semaphore(%run_scoped3A : memref<!tpu.dma_semaphore, #tpu.memory_space<semaphore_mem>>)
      %dma_wait3A = arith.constant 0 : i32
      %dma_wait3A_32 = tpu.memref_slice %arg3[%arg0, %mul3A_6, %dma_wait3A] : memref<2x10240x16xf32, #tpu.memory_space<hbm>> -> memref<1x640x16xf32, #tpu.memory_space<hbm>>
      %dma_wait3A_33 = tpu.memref_squeeze %dma_wait3A_32 : memref<1x640x16xf32, #tpu.memory_space<hbm>> -> memref<640x16xf32, #tpu.memory_space<hbm>>
      %dma_wait3A_34 = arith.constant 0 : i32
      %dma_wait3A_35 = tpu.memref_slice %arg6[%mul3A_6, %dma_wait3A_34] : memref<10240x16xf32, #tpu.memory_space<vmem_shared>> -> memref<640x16xf32, #tpu.memory_space<vmem_shared>>
      tpu.wait_dma2 semaphore(%run_scoped3A : memref<!tpu.dma_semaphore, #tpu.memory_space<semaphore_mem>>) src(%dma_wait3A_35 : memref<640x16xf32, #tpu.memory_space<vmem_shared>>) dst(%dma_wait3A_33 : memref<640x16xf32, #tpu.memory_space<hbm>>)
      tpu.yield
    }) : () -> ()
    return
  }
}

#map = affine_map<(d0, d1) -> (0, 0)>
#map1 = affine_map<(d0, d1) -> (0, 0, 0)>
module attributes {stable_mosaic.version = 14 : i64} {
  func.func @_mp_body(%arg0: i32, %arg1: i32, %arg2: memref<10000x128xf32, #tpu.memory_space<hbm>>, %arg3: memref<32x80x128xi32, #tpu.memory_space<hbm>>, %arg4: memref<32x80x128xi32, #tpu.memory_space<hbm>>, %arg5: memref<2x10240x128xf32, #tpu.memory_space<hbm>>, %arg6: memref<80x128xi32, #tpu.memory_space<vmem>>, %arg7: memref<80x128xi32, #tpu.memory_space<vmem>>, %arg8: memref<128x128xf32, #tpu.memory_space<vmem>>, %arg9: memref<10240x128xf32, #tpu.memory_space<vmem_shared>>, %arg10: memref<!tpu.dma_semaphore, #tpu.memory_space<semaphore_mem>>) attributes {dimension_semantics = [#tpu.dimension_semantics<core_parallel>, #tpu.dimension_semantics<subcore_parallel>], iteration_bounds = array<i64: 2, 16>, scalar_prefetch = 0 : i64, scratch_operands = 5 : i64, tpu.core_type = #tpu.core_type<sc_vector_subcore>, window_params = [{transform_indices = #map}, {transform_indices = #map1}, {transform_indices = #map1}, {transform_indices = #map1}]} {
    %mul3A = arith.constant 16 : i32
    %mul3A_0 = arith.muli %arg0, %mul3A : i32
    %add3A = arith.addi %mul3A_0, %arg1 : i32
    %scan3A = arith.constant 0 : i32
    %scan3A_1 = arith.constant 128 : i32
    %scan3A_2 = arith.addi %scan3A, %scan3A_1 : i32
    %scan3A_3 = arith.constant 1 : i32
    scf.for %scan3A_23 = %scan3A to %scan3A_2 step %scan3A_3  : i32 {
      %mul3A_24 = arith.constant 1 : i32
      %mul3A_25 = arith.muli %scan3A_23, %mul3A_24 : i32
      %add3A_26 = arith.constant 0 : i32
      %add3A_27 = arith.addi %add3A_26, %mul3A_25 : i32
      %scan3A_28 = arith.constant 0 : i32
      %scan3A_29 = arith.constant 8 : i32
      %scan3A_30 = arith.addi %scan3A_28, %scan3A_29 : i32
      %scan3A_31 = arith.constant 1 : i32
      scf.for %scan3A_33 = %scan3A_28 to %scan3A_30 step %scan3A_31  : i32 {
        %mul3A_34 = arith.constant 16 : i32
        %mul3A_35 = arith.muli %scan3A_33, %mul3A_34 : i32
        %add3A_36 = arith.constant 0 : i32
        %add3A_37 = arith.addi %add3A_36, %mul3A_35 : i32
        %broadcast_in_dim3A = arith.constant 0.000000e+00 : f32
        %broadcast_in_dim3A_38 = vector.broadcast %broadcast_in_dim3A : f32 to vector<16xf32>
        %swap3A = arith.index_cast %add3A_27 : i32 to index
        %swap3A_39 = arith.index_cast %add3A_37 : i32 to index
        %swap3A_40 = tpu.vector_load %arg8[%swap3A, %swap3A_39] {strides = array<i32>} : memref<128x128xf32, #tpu.memory_space<vmem>>, vector<1x16xf32>,
        %swap3A_41 = vector.shape_cast %swap3A_40 : vector<1x16xf32> to vector<16xf32>
        %swap3A_42 = vector.shape_cast %broadcast_in_dim3A_38 : vector<16xf32> to vector<1x16xf32>
        tpu.vector_store %arg8[%swap3A, %swap3A_39], %swap3A_42 {strides = array<i32>} : memref<128x128xf32, #tpu.memory_space<vmem>>, vector<1x16xf32>,
      }
      %scan3A_32 = arith.constant 8 : i32
    }
    %scan3A_4 = arith.constant 128 : i32
    %mul3A_5 = arith.constant 640 : i32
    %mul3A_6 = arith.muli %arg1, %mul3A_5 : i32
    %add3A_7 = arith.constant 0 : i32
    %add3A_8 = arith.addi %mul3A_6, %add3A_7 : i32
    "tpu.region"() ({
      %run_scoped3A = tpu.sem_alloc : memref<!tpu.dma_semaphore, #tpu.memory_space<semaphore_mem>>
      %dma_start3A = arith.constant 0 : i32
      %dma_start3A_23 = tpu.memref_slice %arg9[%add3A_8, %dma_start3A] : memref<10240x128xf32, #tpu.memory_space<vmem_shared>> -> memref<128x128xf32, #tpu.memory_space<vmem_shared>>
      %dma_start3A_24 = arith.constant 0 : i32
      %dma_start3A_25 = tpu.memref_slice %arg9[%add3A_8, %dma_start3A_24] : memref<10240x128xf32, #tpu.memory_space<vmem_shared>> -> memref<128x128xf32, #tpu.memory_space<vmem_shared>>
      tpu.enqueue_dma source(%arg8 : memref<128x128xf32, #tpu.memory_space<vmem>>) target(%dma_start3A_25 : memref<128x128xf32, #tpu.memory_space<vmem_shared>>) target_semaphore(%run_scoped3A : memref<!tpu.dma_semaphore, #tpu.memory_space<semaphore_mem>>)
      %dma_wait3A = arith.constant 0 : i32
      %dma_wait3A_26 = tpu.memref_slice %arg9[%add3A_8, %dma_wait3A] : memref<10240x128xf32, #tpu.memory_space<vmem_shared>> -> memref<128x128xf32, #tpu.memory_space<vmem_shared>>
      %dma_wait3A_27 = arith.constant 0 : i32
      %dma_wait3A_28 = tpu.memref_slice %arg9[%add3A_8, %dma_wait3A_27] : memref<10240x128xf32, #tpu.memory_space<vmem_shared>> -> memref<128x128xf32, #tpu.memory_space<vmem_shared>>
      tpu.wait_dma2 semaphore(%run_scoped3A : memref<!tpu.dma_semaphore, #tpu.memory_space<semaphore_mem>>) src(%arg8 : memref<128x128xf32, #tpu.memory_space<vmem>>) dst(%dma_wait3A_28 : memref<128x128xf32, #tpu.memory_space<vmem_shared>>)
      tpu.yield
    }) : () -> ()
    %add3A_9 = arith.constant 128 : i32
    %add3A_10 = arith.addi %mul3A_6, %add3A_9 : i32
    "tpu.region"() ({
      %run_scoped3A = tpu.sem_alloc : memref<!tpu.dma_semaphore, #tpu.memory_space<semaphore_mem>>
      %dma_start3A = arith.constant 0 : i32
      %dma_start3A_23 = tpu.memref_slice %arg9[%add3A_10, %dma_start3A] : memref<10240x128xf32, #tpu.memory_space<vmem_shared>> -> memref<128x128xf32, #tpu.memory_space<vmem_shared>>
      %dma_start3A_24 = arith.constant 0 : i32
      %dma_start3A_25 = tpu.memref_slice %arg9[%add3A_10, %dma_start3A_24] : memref<10240x128xf32, #tpu.memory_space<vmem_shared>> -> memref<128x128xf32, #tpu.memory_space<vmem_shared>>
      tpu.enqueue_dma source(%arg8 : memref<128x128xf32, #tpu.memory_space<vmem>>) target(%dma_start3A_25 : memref<128x128xf32, #tpu.memory_space<vmem_shared>>) target_semaphore(%run_scoped3A : memref<!tpu.dma_semaphore, #tpu.memory_space<semaphore_mem>>)
      %dma_wait3A = arith.constant 0 : i32
      %dma_wait3A_26 = tpu.memref_slice %arg9[%add3A_10, %dma_wait3A] : memref<10240x128xf32, #tpu.memory_space<vmem_shared>> -> memref<128x128xf32, #tpu.memory_space<vmem_shared>>
      %dma_wait3A_27 = arith.constant 0 : i32
      %dma_wait3A_28 = tpu.memref_slice %arg9[%add3A_10, %dma_wait3A_27] : memref<10240x128xf32, #tpu.memory_space<vmem_shared>> -> memref<128x128xf32, #tpu.memory_space<vmem_shared>>
      tpu.wait_dma2 semaphore(%run_scoped3A : memref<!tpu.dma_semaphore, #tpu.memory_space<semaphore_mem>>) src(%arg8 : memref<128x128xf32, #tpu.memory_space<vmem>>) dst(%dma_wait3A_28 : memref<128x128xf32, #tpu.memory_space<vmem_shared>>)
      tpu.yield
    }) : () -> ()
    %add3A_11 = arith.constant 256 : i32
    %add3A_12 = arith.addi %mul3A_6, %add3A_11 : i32
    "tpu.region"() ({
      %run_scoped3A = tpu.sem_alloc : memref<!tpu.dma_semaphore, #tpu.memory_space<semaphore_mem>>
      %dma_start3A = arith.constant 0 : i32
      %dma_start3A_23 = tpu.memref_slice %arg9[%add3A_12, %dma_start3A] : memref<10240x128xf32, #tpu.memory_space<vmem_shared>> -> memref<128x128xf32, #tpu.memory_space<vmem_shared>>
      %dma_start3A_24 = arith.constant 0 : i32
      %dma_start3A_25 = tpu.memref_slice %arg9[%add3A_12, %dma_start3A_24] : memref<10240x128xf32, #tpu.memory_space<vmem_shared>> -> memref<128x128xf32, #tpu.memory_space<vmem_shared>>
      tpu.enqueue_dma source(%arg8 : memref<128x128xf32, #tpu.memory_space<vmem>>) target(%dma_start3A_25 : memref<128x128xf32, #tpu.memory_space<vmem_shared>>) target_semaphore(%run_scoped3A : memref<!tpu.dma_semaphore, #tpu.memory_space<semaphore_mem>>)
      %dma_wait3A = arith.constant 0 : i32
      %dma_wait3A_26 = tpu.memref_slice %arg9[%add3A_12, %dma_wait3A] : memref<10240x128xf32, #tpu.memory_space<vmem_shared>> -> memref<128x128xf32, #tpu.memory_space<vmem_shared>>
      %dma_wait3A_27 = arith.constant 0 : i32
      %dma_wait3A_28 = tpu.memref_slice %arg9[%add3A_12, %dma_wait3A_27] : memref<10240x128xf32, #tpu.memory_space<vmem_shared>> -> memref<128x128xf32, #tpu.memory_space<vmem_shared>>
      tpu.wait_dma2 semaphore(%run_scoped3A : memref<!tpu.dma_semaphore, #tpu.memory_space<semaphore_mem>>) src(%arg8 : memref<128x128xf32, #tpu.memory_space<vmem>>) dst(%dma_wait3A_28 : memref<128x128xf32, #tpu.memory_space<vmem_shared>>)
      tpu.yield
    }) : () -> ()
    %add3A_13 = arith.constant 384 : i32
    %add3A_14 = arith.addi %mul3A_6, %add3A_13 : i32
    "tpu.region"() ({
      %run_scoped3A = tpu.sem_alloc : memref<!tpu.dma_semaphore, #tpu.memory_space<semaphore_mem>>
      %dma_start3A = arith.constant 0 : i32
      %dma_start3A_23 = tpu.memref_slice %arg9[%add3A_14, %dma_start3A] : memref<10240x128xf32, #tpu.memory_space<vmem_shared>> -> memref<128x128xf32, #tpu.memory_space<vmem_shared>>
      %dma_start3A_24 = arith.constant 0 : i32
      %dma_start3A_25 = tpu.memref_slice %arg9[%add3A_14, %dma_start3A_24] : memref<10240x128xf32, #tpu.memory_space<vmem_shared>> -> memref<128x128xf32, #tpu.memory_space<vmem_shared>>
      tpu.enqueue_dma source(%arg8 : memref<128x128xf32, #tpu.memory_space<vmem>>) target(%dma_start3A_25 : memref<128x128xf32, #tpu.memory_space<vmem_shared>>) target_semaphore(%run_scoped3A : memref<!tpu.dma_semaphore, #tpu.memory_space<semaphore_mem>>)
      %dma_wait3A = arith.constant 0 : i32
      %dma_wait3A_26 = tpu.memref_slice %arg9[%add3A_14, %dma_wait3A] : memref<10240x128xf32, #tpu.memory_space<vmem_shared>> -> memref<128x128xf32, #tpu.memory_space<vmem_shared>>
      %dma_wait3A_27 = arith.constant 0 : i32
      %dma_wait3A_28 = tpu.memref_slice %arg9[%add3A_14, %dma_wait3A_27] : memref<10240x128xf32, #tpu.memory_space<vmem_shared>> -> memref<128x128xf32, #tpu.memory_space<vmem_shared>>
      tpu.wait_dma2 semaphore(%run_scoped3A : memref<!tpu.dma_semaphore, #tpu.memory_space<semaphore_mem>>) src(%arg8 : memref<128x128xf32, #tpu.memory_space<vmem>>) dst(%dma_wait3A_28 : memref<128x128xf32, #tpu.memory_space<vmem_shared>>)
      tpu.yield
    }) : () -> ()
    %add3A_15 = arith.constant 512 : i32
    %add3A_16 = arith.addi %mul3A_6, %add3A_15 : i32
    "tpu.region"() ({
      %run_scoped3A = tpu.sem_alloc : memref<!tpu.dma_semaphore, #tpu.memory_space<semaphore_mem>>
      %dma_start3A = arith.constant 0 : i32
      %dma_start3A_23 = tpu.memref_slice %arg9[%add3A_16, %dma_start3A] : memref<10240x128xf32, #tpu.memory_space<vmem_shared>> -> memref<128x128xf32, #tpu.memory_space<vmem_shared>>
      %dma_start3A_24 = arith.constant 0 : i32
      %dma_start3A_25 = tpu.memref_slice %arg9[%add3A_16, %dma_start3A_24] : memref<10240x128xf32, #tpu.memory_space<vmem_shared>> -> memref<128x128xf32, #tpu.memory_space<vmem_shared>>
      tpu.enqueue_dma source(%arg8 : memref<128x128xf32, #tpu.memory_space<vmem>>) target(%dma_start3A_25 : memref<128x128xf32, #tpu.memory_space<vmem_shared>>) target_semaphore(%run_scoped3A : memref<!tpu.dma_semaphore, #tpu.memory_space<semaphore_mem>>)
      %dma_wait3A = arith.constant 0 : i32
      %dma_wait3A_26 = tpu.memref_slice %arg9[%add3A_16, %dma_wait3A] : memref<10240x128xf32, #tpu.memory_space<vmem_shared>> -> memref<128x128xf32, #tpu.memory_space<vmem_shared>>
      %dma_wait3A_27 = arith.constant 0 : i32
      %dma_wait3A_28 = tpu.memref_slice %arg9[%add3A_16, %dma_wait3A_27] : memref<10240x128xf32, #tpu.memory_space<vmem_shared>> -> memref<128x128xf32, #tpu.memory_space<vmem_shared>>
      tpu.wait_dma2 semaphore(%run_scoped3A : memref<!tpu.dma_semaphore, #tpu.memory_space<semaphore_mem>>) src(%arg8 : memref<128x128xf32, #tpu.memory_space<vmem>>) dst(%dma_wait3A_28 : memref<128x128xf32, #tpu.memory_space<vmem_shared>>)
      tpu.yield
    }) : () -> ()
    %barrier3A = arith.constant 0 : index
    tpu.barrier barrier_id(%barrier3A)
    "tpu.region"() ({
      %run_scoped3A = tpu.sem_alloc : memref<!tpu.dma_semaphore, #tpu.memory_space<semaphore_mem>>
      %dma_start3A = arith.constant 0 : i32
      %dma_start3A_23 = arith.constant 0 : i32
      %dma_start3A_24 = tpu.memref_slice %arg3[%add3A, %dma_start3A, %dma_start3A_23] : memref<32x80x128xi32, #tpu.memory_space<hbm>> -> memref<1x80x128xi32, #tpu.memory_space<hbm>>
      %dma_start3A_25 = tpu.memref_squeeze %dma_start3A_24 : memref<1x80x128xi32, #tpu.memory_space<hbm>> -> memref<80x128xi32, #tpu.memory_space<hbm>>
      %dma_start3A_26 = arith.constant 0 : i32
      %dma_start3A_27 = arith.constant 0 : i32
      %dma_start3A_28 = tpu.memref_slice %arg3[%add3A, %dma_start3A_26, %dma_start3A_27] : memref<32x80x128xi32, #tpu.memory_space<hbm>> -> memref<1x80x128xi32, #tpu.memory_space<hbm>>
      %dma_start3A_29 = tpu.memref_squeeze %dma_start3A_28 : memref<1x80x128xi32, #tpu.memory_space<hbm>> -> memref<80x128xi32, #tpu.memory_space<hbm>>
      tpu.enqueue_dma source(%dma_start3A_29 : memref<80x128xi32, #tpu.memory_space<hbm>>) target(%arg6 : memref<80x128xi32, #tpu.memory_space<vmem>>) target_semaphore(%run_scoped3A : memref<!tpu.dma_semaphore, #tpu.memory_space<semaphore_mem>>)
      %dma_wait3A = arith.constant 0 : i32
      %dma_wait3A_30 = arith.constant 0 : i32
      %dma_wait3A_31 = tpu.memref_slice %arg3[%add3A, %dma_wait3A, %dma_wait3A_30] : memref<32x80x128xi32, #tpu.memory_space<hbm>> -> memref<1x80x128xi32, #tpu.memory_space<hbm>>
      %dma_wait3A_32 = tpu.memref_squeeze %dma_wait3A_31 : memref<1x80x128xi32, #tpu.memory_space<hbm>> -> memref<80x128xi32, #tpu.memory_space<hbm>>
      %dma_wait3A_33 = arith.constant 0 : i32
      %dma_wait3A_34 = arith.constant 0 : i32
      %dma_wait3A_35 = tpu.memref_slice %arg3[%add3A, %dma_wait3A_33, %dma_wait3A_34] : memref<32x80x128xi32, #tpu.memory_space<hbm>> -> memref<1x80x128xi32, #tpu.memory_space<hbm>>
      %dma_wait3A_36 = tpu.memref_squeeze %dma_wait3A_35 : memref<1x80x128xi32, #tpu.memory_space<hbm>> -> memref<80x128xi32, #tpu.memory_space<hbm>>
      tpu.wait_dma2 semaphore(%run_scoped3A : memref<!tpu.dma_semaphore, #tpu.memory_space<semaphore_mem>>) src(%dma_wait3A_36 : memref<80x128xi32, #tpu.memory_space<hbm>>) dst(%arg6 : memref<80x128xi32, #tpu.memory_space<vmem>>)
      tpu.yield
    }) : () -> ()
    "tpu.region"() ({
      %run_scoped3A = tpu.sem_alloc : memref<!tpu.dma_semaphore, #tpu.memory_space<semaphore_mem>>
      %dma_start3A = arith.constant 0 : i32
      %dma_start3A_23 = arith.constant 0 : i32
      %dma_start3A_24 = tpu.memref_slice %arg4[%add3A, %dma_start3A, %dma_start3A_23] : memref<32x80x128xi32, #tpu.memory_space<hbm>> -> memref<1x80x128xi32, #tpu.memory_space<hbm>>
      %dma_start3A_25 = tpu.memref_squeeze %dma_start3A_24 : memref<1x80x128xi32, #tpu.memory_space<hbm>> -> memref<80x128xi32, #tpu.memory_space<hbm>>
      %dma_start3A_26 = arith.constant 0 : i32
      %dma_start3A_27 = arith.constant 0 : i32
      %dma_start3A_28 = tpu.memref_slice %arg4[%add3A, %dma_start3A_26, %dma_start3A_27] : memref<32x80x128xi32, #tpu.memory_space<hbm>> -> memref<1x80x128xi32, #tpu.memory_space<hbm>>
      %dma_start3A_29 = tpu.memref_squeeze %dma_start3A_28 : memref<1x80x128xi32, #tpu.memory_space<hbm>> -> memref<80x128xi32, #tpu.memory_space<hbm>>
      tpu.enqueue_dma source(%dma_start3A_29 : memref<80x128xi32, #tpu.memory_space<hbm>>) target(%arg7 : memref<80x128xi32, #tpu.memory_space<vmem>>) target_semaphore(%run_scoped3A : memref<!tpu.dma_semaphore, #tpu.memory_space<semaphore_mem>>)
      %dma_wait3A = arith.constant 0 : i32
      %dma_wait3A_30 = arith.constant 0 : i32
      %dma_wait3A_31 = tpu.memref_slice %arg4[%add3A, %dma_wait3A, %dma_wait3A_30] : memref<32x80x128xi32, #tpu.memory_space<hbm>> -> memref<1x80x128xi32, #tpu.memory_space<hbm>>
      %dma_wait3A_32 = tpu.memref_squeeze %dma_wait3A_31 : memref<1x80x128xi32, #tpu.memory_space<hbm>> -> memref<80x128xi32, #tpu.memory_space<hbm>>
      %dma_wait3A_33 = arith.constant 0 : i32
      %dma_wait3A_34 = arith.constant 0 : i32
      %dma_wait3A_35 = tpu.memref_slice %arg4[%add3A, %dma_wait3A_33, %dma_wait3A_34] : memref<32x80x128xi32, #tpu.memory_space<hbm>> -> memref<1x80x128xi32, #tpu.memory_space<hbm>>
      %dma_wait3A_36 = tpu.memref_squeeze %dma_wait3A_35 : memref<1x80x128xi32, #tpu.memory_space<hbm>> -> memref<80x128xi32, #tpu.memory_space<hbm>>
      tpu.wait_dma2 semaphore(%run_scoped3A : memref<!tpu.dma_semaphore, #tpu.memory_space<semaphore_mem>>) src(%dma_wait3A_36 : memref<80x128xi32, #tpu.memory_space<hbm>>) dst(%arg7 : memref<80x128xi32, #tpu.memory_space<vmem>>)
      tpu.yield
    }) : () -> ()
    %scan3A_17 = arith.constant 0 : i32
    %scan3A_18 = arith.constant 79 : i32
    %scan3A_19 = arith.addi %scan3A_17, %scan3A_18 : i32
    %scan3A_20 = arith.constant 1 : i32
    scf.for %scan3A_23 = %scan3A_17 to %scan3A_19 step %scan3A_20  : i32 {
      %mul3A_24 = arith.constant 1 : i32
      %mul3A_25 = arith.muli %scan3A_23, %mul3A_24 : i32
      %add3A_26 = arith.constant 0 : i32
      %add3A_27 = arith.addi %add3A_26, %mul3A_25 : i32
      %dma_start3A = arith.constant 0 : i32
      %dma_start3A_28 = tpu.memref_slice %arg6[%add3A_27, %dma_start3A] : memref<80x128xi32, #tpu.memory_space<vmem>> -> memref<1x128xi32, #tpu.memory_space<vmem>>
      %dma_start3A_29 = tpu.memref_squeeze %dma_start3A_28 : memref<1x128xi32, #tpu.memory_space<vmem>> -> memref<128xi32, #tpu.memory_space<vmem>>
      %dma_start3A_30 = arith.constant 0 : i32
      %dma_start3A_31 = arith.constant 0 : i32
      %dma_start3A_32 = tpu.memref_slice %arg2[%dma_start3A_30, %dma_start3A_31] : memref<10000x128xf32, #tpu.memory_space<hbm>> -> memref<10000x128xf32, #tpu.memory_space<hbm>>
      tpu.enqueue_indirect_dma source(%dma_start3A_32 : memref<10000x128xf32, #tpu.memory_space<hbm>>) target(%arg8 : memref<128x128xf32, #tpu.memory_space<vmem>>) offsets(%dma_start3A_29 : memref<128xi32, #tpu.memory_space<vmem>>) semaphore(%arg10 : memref<!tpu.dma_semaphore, #tpu.memory_space<semaphore_mem>>)
      %dma_wait3A = arith.constant 0 : i32
      %dma_wait3A_33 = tpu.memref_slice %arg6[%add3A_27, %dma_wait3A] : memref<80x128xi32, #tpu.memory_space<vmem>> -> memref<1x128xi32, #tpu.memory_space<vmem>>
      %dma_wait3A_34 = tpu.memref_squeeze %dma_wait3A_33 : memref<1x128xi32, #tpu.memory_space<vmem>> -> memref<128xi32, #tpu.memory_space<vmem>>
      %dma_wait3A_35 = arith.constant 0 : i32
      %dma_wait3A_36 = arith.constant 0 : i32
      %dma_wait3A_37 = tpu.memref_slice %arg2[%dma_wait3A_35, %dma_wait3A_36] : memref<10000x128xf32, #tpu.memory_space<hbm>> -> memref<10000x128xf32, #tpu.memory_space<hbm>>
      tpu.wait_indirect_dma semaphore(%arg10 : memref<!tpu.dma_semaphore, #tpu.memory_space<semaphore_mem>>) src(%dma_wait3A_37 : memref<10000x128xf32, #tpu.memory_space<hbm>>) dst(%arg8 : memref<128x128xf32, #tpu.memory_space<vmem>>)
      "tpu.region"() ({
        %run_scoped3A = tpu.sem_alloc : memref<!tpu.dma_semaphore, #tpu.memory_space<semaphore_mem>>
        %dma_start3A_38 = arith.constant 0 : i32
        %dma_start3A_39 = tpu.memref_slice %arg7[%add3A_27, %dma_start3A_38] : memref<80x128xi32, #tpu.memory_space<vmem>> -> memref<1x128xi32, #tpu.memory_space<vmem>>
        %dma_start3A_40 = tpu.memref_squeeze %dma_start3A_39 : memref<1x128xi32, #tpu.memory_space<vmem>> -> memref<128xi32, #tpu.memory_space<vmem>>
        %dma_start3A_41 = arith.constant 0 : i32
        %dma_start3A_42 = arith.constant 0 : i32
        %dma_start3A_43 = tpu.memref_slice %arg9[%dma_start3A_41, %dma_start3A_42] : memref<10240x128xf32, #tpu.memory_space<vmem_shared>> -> memref<10240x128xf32, #tpu.memory_space<vmem_shared>>
        tpu.enqueue_indirect_dma source(%arg8 : memref<128x128xf32, #tpu.memory_space<vmem>>) target(%dma_start3A_43 : memref<10240x128xf32, #tpu.memory_space<vmem_shared>>) offsets(%dma_start3A_40 : memref<128xi32, #tpu.memory_space<vmem>>) semaphore(%run_scoped3A : memref<!tpu.dma_semaphore, #tpu.memory_space<semaphore_mem>>) {add = true}
        %dma_wait3A_44 = arith.constant 0 : i32
        %dma_wait3A_45 = tpu.memref_slice %arg7[%add3A_27, %dma_wait3A_44] : memref<80x128xi32, #tpu.memory_space<vmem>> -> memref<1x128xi32, #tpu.memory_space<vmem>>
        %dma_wait3A_46 = tpu.memref_squeeze %dma_wait3A_45 : memref<1x128xi32, #tpu.memory_space<vmem>> -> memref<128xi32, #tpu.memory_space<vmem>>
        %dma_wait3A_47 = arith.constant 0 : i32
        %dma_wait3A_48 = arith.constant 0 : i32
        %dma_wait3A_49 = tpu.memref_slice %arg9[%dma_wait3A_47, %dma_wait3A_48] : memref<10240x128xf32, #tpu.memory_space<vmem_shared>> -> memref<10240x128xf32, #tpu.memory_space<vmem_shared>>
        tpu.wait_indirect_dma semaphore(%run_scoped3A : memref<!tpu.dma_semaphore, #tpu.memory_space<semaphore_mem>>) src(%arg8 : memref<128x128xf32, #tpu.memory_space<vmem>>) dst(%dma_wait3A_49 : memref<10240x128xf32, #tpu.memory_space<vmem_shared>>)
        tpu.yield
      }) : () -> ()
    }
    %scan3A_21 = arith.constant 79 : i32
    %barrier3A_22 = arith.constant 0 : index
    tpu.barrier barrier_id(%barrier3A_22)
    "tpu.region"() ({
      %run_scoped3A = tpu.sem_alloc : memref<!tpu.dma_semaphore, #tpu.memory_space<semaphore_mem>>
      %dma_start3A = arith.constant 0 : i32
      %dma_start3A_23 = tpu.memref_slice %arg5[%arg0, %mul3A_6, %dma_start3A] : memref<2x10240x128xf32, #tpu.memory_space<hbm>> -> memref<1x640x128xf32, #tpu.memory_space<hbm>>
      %dma_start3A_24 = tpu.memref_squeeze %dma_start3A_23 : memref<1x640x128xf32, #tpu.memory_space<hbm>> -> memref<640x128xf32, #tpu.memory_space<hbm>>
      %dma_start3A_25 = arith.constant 0 : i32
      %dma_start3A_26 = tpu.memref_slice %arg9[%mul3A_6, %dma_start3A_25] : memref<10240x128xf32, #tpu.memory_space<vmem_shared>> -> memref<640x128xf32, #tpu.memory_space<vmem_shared>>
      tpu.enqueue_dma source(%dma_start3A_26 : memref<640x128xf32, #tpu.memory_space<vmem_shared>>) target(%dma_start3A_24 : memref<640x128xf32, #tpu.memory_space<hbm>>) target_semaphore(%run_scoped3A : memref<!tpu.dma_semaphore, #tpu.memory_space<semaphore_mem>>)
      %dma_wait3A = arith.constant 0 : i32
      %dma_wait3A_27 = tpu.memref_slice %arg5[%arg0, %mul3A_6, %dma_wait3A] : memref<2x10240x128xf32, #tpu.memory_space<hbm>> -> memref<1x640x128xf32, #tpu.memory_space<hbm>>
      %dma_wait3A_28 = tpu.memref_squeeze %dma_wait3A_27 : memref<1x640x128xf32, #tpu.memory_space<hbm>> -> memref<640x128xf32, #tpu.memory_space<hbm>>
      %dma_wait3A_29 = arith.constant 0 : i32
      %dma_wait3A_30 = tpu.memref_slice %arg9[%mul3A_6, %dma_wait3A_29] : memref<10240x128xf32, #tpu.memory_space<vmem_shared>> -> memref<640x128xf32, #tpu.memory_space<vmem_shared>>
      tpu.wait_dma2 semaphore(%run_scoped3A : memref<!tpu.dma_semaphore, #tpu.memory_space<semaphore_mem>>) src(%dma_wait3A_30 : memref<640x128xf32, #tpu.memory_space<vmem_shared>>) dst(%dma_wait3A_28 : memref<640x128xf32, #tpu.memory_space<hbm>>)
      tpu.yield
    }) : () -> ()
    return
  }
}

#map = affine_map<(d0, d1) -> (0, 0)>
#map1 = affine_map<(d0, d1) -> (0, 0, 0)>
module attributes {stable_mosaic.version = 14 : i64} {
  func.func @_mp_body(%arg0: i32, %arg1: i32, %arg2: memref<10000x128xf32, #tpu.memory_space<hbm>>, %arg3: memref<32x80x128xi32, #tpu.memory_space<hbm>>, %arg4: memref<32x80x128xi32, #tpu.memory_space<hbm>>, %arg5: memref<2x10240x128xf32, #tpu.memory_space<hbm>>, %arg6: memref<80x128xi32, #tpu.memory_space<vmem>>, %arg7: memref<80x128xi32, #tpu.memory_space<vmem>>, %arg8: memref<128x128xf32, #tpu.memory_space<vmem>>, %arg9: memref<10240x128xf32, #tpu.memory_space<vmem_shared>>, %arg10: memref<!tpu.dma_semaphore, #tpu.memory_space<semaphore_mem>>) attributes {dimension_semantics = [#tpu.dimension_semantics<core_parallel>, #tpu.dimension_semantics<subcore_parallel>], iteration_bounds = array<i64: 2, 16>, scalar_prefetch = 0 : i64, scratch_operands = 5 : i64, tpu.core_type = #tpu.core_type<sc_vector_subcore>, window_params = [{transform_indices = #map}, {transform_indices = #map1}, {transform_indices = #map1}, {transform_indices = #map1}]} {
    %mul3A = arith.constant 16 : i32
    %mul3A_0 = arith.muli %arg0, %mul3A : i32
    %add3A = arith.addi %mul3A_0, %arg1 : i32
    %scan3A = arith.constant 0 : i32
    %scan3A_1 = arith.constant 128 : i32
    %scan3A_2 = arith.addi %scan3A, %scan3A_1 : i32
    %scan3A_3 = arith.constant 1 : i32
    scf.for %scan3A_23 = %scan3A to %scan3A_2 step %scan3A_3  : i32 {
      %mul3A_24 = arith.constant 1 : i32
      %mul3A_25 = arith.muli %scan3A_23, %mul3A_24 : i32
      %add3A_26 = arith.constant 0 : i32
      %add3A_27 = arith.addi %add3A_26, %mul3A_25 : i32
      %scan3A_28 = arith.constant 0 : i32
      %scan3A_29 = arith.constant 8 : i32
      %scan3A_30 = arith.addi %scan3A_28, %scan3A_29 : i32
      %scan3A_31 = arith.constant 1 : i32
      scf.for %scan3A_33 = %scan3A_28 to %scan3A_30 step %scan3A_31  : i32 {
        %mul3A_34 = arith.constant 16 : i32
        %mul3A_35 = arith.muli %scan3A_33, %mul3A_34 : i32
        %add3A_36 = arith.constant 0 : i32
        %add3A_37 = arith.addi %add3A_36, %mul3A_35 : i32
        %broadcast_in_dim3A = arith.constant 0.000000e+00 : f32
        %broadcast_in_dim3A_38 = vector.broadcast %broadcast_in_dim3A : f32 to vector<16xf32>
        %swap3A = arith.index_cast %add3A_27 : i32 to index
        %swap3A_39 = arith.index_cast %add3A_37 : i32 to index
        %swap3A_40 = tpu.vector_load %arg8[%swap3A, %swap3A_39] {strides = array<i32>} : memref<128x128xf32, #tpu.memory_space<vmem>>, vector<1x16xf32>,
        %swap3A_41 = vector.shape_cast %swap3A_40 : vector<1x16xf32> to vector<16xf32>
        %swap3A_42 = vector.shape_cast %broadcast_in_dim3A_38 : vector<16xf32> to vector<1x16xf32>
        tpu.vector_store %arg8[%swap3A, %swap3A_39], %swap3A_42 {strides = array<i32>} : memref<128x128xf32, #tpu.memory_space<vmem>>, vector<1x16xf32>,
      }
      %scan3A_32 = arith.constant 8 : i32
    }
    %scan3A_4 = arith.constant 128 : i32
    %mul3A_5 = arith.constant 640 : i32
    %mul3A_6 = arith.muli %arg1, %mul3A_5 : i32
    %add3A_7 = arith.constant 0 : i32
    %add3A_8 = arith.addi %mul3A_6, %add3A_7 : i32
    "tpu.region"() ({
      %run_scoped3A = tpu.sem_alloc : memref<!tpu.dma_semaphore, #tpu.memory_space<semaphore_mem>>
      %dma_start3A = arith.constant 0 : i32
      %dma_start3A_23 = tpu.memref_slice %arg9[%add3A_8, %dma_start3A] : memref<10240x128xf32, #tpu.memory_space<vmem_shared>> -> memref<128x128xf32, #tpu.memory_space<vmem_shared>>
      %dma_start3A_24 = arith.constant 0 : i32
      %dma_start3A_25 = tpu.memref_slice %arg9[%add3A_8, %dma_start3A_24] : memref<10240x128xf32, #tpu.memory_space<vmem_shared>> -> memref<128x128xf32, #tpu.memory_space<vmem_shared>>
      tpu.enqueue_dma source(%arg8 : memref<128x128xf32, #tpu.memory_space<vmem>>) target(%dma_start3A_25 : memref<128x128xf32, #tpu.memory_space<vmem_shared>>) target_semaphore(%run_scoped3A : memref<!tpu.dma_semaphore, #tpu.memory_space<semaphore_mem>>)
      %dma_wait3A = arith.constant 0 : i32
      %dma_wait3A_26 = tpu.memref_slice %arg9[%add3A_8, %dma_wait3A] : memref<10240x128xf32, #tpu.memory_space<vmem_shared>> -> memref<128x128xf32, #tpu.memory_space<vmem_shared>>
      %dma_wait3A_27 = arith.constant 0 : i32
      %dma_wait3A_28 = tpu.memref_slice %arg9[%add3A_8, %dma_wait3A_27] : memref<10240x128xf32, #tpu.memory_space<vmem_shared>> -> memref<128x128xf32, #tpu.memory_space<vmem_shared>>
      tpu.wait_dma2 semaphore(%run_scoped3A : memref<!tpu.dma_semaphore, #tpu.memory_space<semaphore_mem>>) src(%arg8 : memref<128x128xf32, #tpu.memory_space<vmem>>) dst(%dma_wait3A_28 : memref<128x128xf32, #tpu.memory_space<vmem_shared>>)
      tpu.yield
    }) : () -> ()
    %add3A_9 = arith.constant 128 : i32
    %add3A_10 = arith.addi %mul3A_6, %add3A_9 : i32
    "tpu.region"() ({
      %run_scoped3A = tpu.sem_alloc : memref<!tpu.dma_semaphore, #tpu.memory_space<semaphore_mem>>
      %dma_start3A = arith.constant 0 : i32
      %dma_start3A_23 = tpu.memref_slice %arg9[%add3A_10, %dma_start3A] : memref<10240x128xf32, #tpu.memory_space<vmem_shared>> -> memref<128x128xf32, #tpu.memory_space<vmem_shared>>
      %dma_start3A_24 = arith.constant 0 : i32
      %dma_start3A_25 = tpu.memref_slice %arg9[%add3A_10, %dma_start3A_24] : memref<10240x128xf32, #tpu.memory_space<vmem_shared>> -> memref<128x128xf32, #tpu.memory_space<vmem_shared>>
      tpu.enqueue_dma source(%arg8 : memref<128x128xf32, #tpu.memory_space<vmem>>) target(%dma_start3A_25 : memref<128x128xf32, #tpu.memory_space<vmem_shared>>) target_semaphore(%run_scoped3A : memref<!tpu.dma_semaphore, #tpu.memory_space<semaphore_mem>>)
      %dma_wait3A = arith.constant 0 : i32
      %dma_wait3A_26 = tpu.memref_slice %arg9[%add3A_10, %dma_wait3A] : memref<10240x128xf32, #tpu.memory_space<vmem_shared>> -> memref<128x128xf32, #tpu.memory_space<vmem_shared>>
      %dma_wait3A_27 = arith.constant 0 : i32
      %dma_wait3A_28 = tpu.memref_slice %arg9[%add3A_10, %dma_wait3A_27] : memref<10240x128xf32, #tpu.memory_space<vmem_shared>> -> memref<128x128xf32, #tpu.memory_space<vmem_shared>>
      tpu.wait_dma2 semaphore(%run_scoped3A : memref<!tpu.dma_semaphore, #tpu.memory_space<semaphore_mem>>) src(%arg8 : memref<128x128xf32, #tpu.memory_space<vmem>>) dst(%dma_wait3A_28 : memref<128x128xf32, #tpu.memory_space<vmem_shared>>)
      tpu.yield
    }) : () -> ()
    %add3A_11 = arith.constant 256 : i32
    %add3A_12 = arith.addi %mul3A_6, %add3A_11 : i32
    "tpu.region"() ({
      %run_scoped3A = tpu.sem_alloc : memref<!tpu.dma_semaphore, #tpu.memory_space<semaphore_mem>>
      %dma_start3A = arith.constant 0 : i32
      %dma_start3A_23 = tpu.memref_slice %arg9[%add3A_12, %dma_start3A] : memref<10240x128xf32, #tpu.memory_space<vmem_shared>> -> memref<128x128xf32, #tpu.memory_space<vmem_shared>>
      %dma_start3A_24 = arith.constant 0 : i32
      %dma_start3A_25 = tpu.memref_slice %arg9[%add3A_12, %dma_start3A_24] : memref<10240x128xf32, #tpu.memory_space<vmem_shared>> -> memref<128x128xf32, #tpu.memory_space<vmem_shared>>
      tpu.enqueue_dma source(%arg8 : memref<128x128xf32, #tpu.memory_space<vmem>>) target(%dma_start3A_25 : memref<128x128xf32, #tpu.memory_space<vmem_shared>>) target_semaphore(%run_scoped3A : memref<!tpu.dma_semaphore, #tpu.memory_space<semaphore_mem>>)
      %dma_wait3A = arith.constant 0 : i32
      %dma_wait3A_26 = tpu.memref_slice %arg9[%add3A_12, %dma_wait3A] : memref<10240x128xf32, #tpu.memory_space<vmem_shared>> -> memref<128x128xf32, #tpu.memory_space<vmem_shared>>
      %dma_wait3A_27 = arith.constant 0 : i32
      %dma_wait3A_28 = tpu.memref_slice %arg9[%add3A_12, %dma_wait3A_27] : memref<10240x128xf32, #tpu.memory_space<vmem_shared>> -> memref<128x128xf32, #tpu.memory_space<vmem_shared>>
      tpu.wait_dma2 semaphore(%run_scoped3A : memref<!tpu.dma_semaphore, #tpu.memory_space<semaphore_mem>>) src(%arg8 : memref<128x128xf32, #tpu.memory_space<vmem>>) dst(%dma_wait3A_28 : memref<128x128xf32, #tpu.memory_space<vmem_shared>>)
      tpu.yield
    }) : () -> ()
    %add3A_13 = arith.constant 384 : i32
    %add3A_14 = arith.addi %mul3A_6, %add3A_13 : i32
    "tpu.region"() ({
      %run_scoped3A = tpu.sem_alloc : memref<!tpu.dma_semaphore, #tpu.memory_space<semaphore_mem>>
      %dma_start3A = arith.constant 0 : i32
      %dma_start3A_23 = tpu.memref_slice %arg9[%add3A_14, %dma_start3A] : memref<10240x128xf32, #tpu.memory_space<vmem_shared>> -> memref<128x128xf32, #tpu.memory_space<vmem_shared>>
      %dma_start3A_24 = arith.constant 0 : i32
      %dma_start3A_25 = tpu.memref_slice %arg9[%add3A_14, %dma_start3A_24] : memref<10240x128xf32, #tpu.memory_space<vmem_shared>> -> memref<128x128xf32, #tpu.memory_space<vmem_shared>>
      tpu.enqueue_dma source(%arg8 : memref<128x128xf32, #tpu.memory_space<vmem>>) target(%dma_start3A_25 : memref<128x128xf32, #tpu.memory_space<vmem_shared>>) target_semaphore(%run_scoped3A : memref<!tpu.dma_semaphore, #tpu.memory_space<semaphore_mem>>)
      %dma_wait3A = arith.constant 0 : i32
      %dma_wait3A_26 = tpu.memref_slice %arg9[%add3A_14, %dma_wait3A] : memref<10240x128xf32, #tpu.memory_space<vmem_shared>> -> memref<128x128xf32, #tpu.memory_space<vmem_shared>>
      %dma_wait3A_27 = arith.constant 0 : i32
      %dma_wait3A_28 = tpu.memref_slice %arg9[%add3A_14, %dma_wait3A_27] : memref<10240x128xf32, #tpu.memory_space<vmem_shared>> -> memref<128x128xf32, #tpu.memory_space<vmem_shared>>
      tpu.wait_dma2 semaphore(%run_scoped3A : memref<!tpu.dma_semaphore, #tpu.memory_space<semaphore_mem>>) src(%arg8 : memref<128x128xf32, #tpu.memory_space<vmem>>) dst(%dma_wait3A_28 : memref<128x128xf32, #tpu.memory_space<vmem_shared>>)
      tpu.yield
    }) : () -> ()
    %add3A_15 = arith.constant 512 : i32
    %add3A_16 = arith.addi %mul3A_6, %add3A_15 : i32
    "tpu.region"() ({
      %run_scoped3A = tpu.sem_alloc : memref<!tpu.dma_semaphore, #tpu.memory_space<semaphore_mem>>
      %dma_start3A = arith.constant 0 : i32
      %dma_start3A_23 = tpu.memref_slice %arg9[%add3A_16, %dma_start3A] : memref<10240x128xf32, #tpu.memory_space<vmem_shared>> -> memref<128x128xf32, #tpu.memory_space<vmem_shared>>
      %dma_start3A_24 = arith.constant 0 : i32
      %dma_start3A_25 = tpu.memref_slice %arg9[%add3A_16, %dma_start3A_24] : memref<10240x128xf32, #tpu.memory_space<vmem_shared>> -> memref<128x128xf32, #tpu.memory_space<vmem_shared>>
      tpu.enqueue_dma source(%arg8 : memref<128x128xf32, #tpu.memory_space<vmem>>) target(%dma_start3A_25 : memref<128x128xf32, #tpu.memory_space<vmem_shared>>) target_semaphore(%run_scoped3A : memref<!tpu.dma_semaphore, #tpu.memory_space<semaphore_mem>>)
      %dma_wait3A = arith.constant 0 : i32
      %dma_wait3A_26 = tpu.memref_slice %arg9[%add3A_16, %dma_wait3A] : memref<10240x128xf32, #tpu.memory_space<vmem_shared>> -> memref<128x128xf32, #tpu.memory_space<vmem_shared>>
      %dma_wait3A_27 = arith.constant 0 : i32
      %dma_wait3A_28 = tpu.memref_slice %arg9[%add3A_16, %dma_wait3A_27] : memref<10240x128xf32, #tpu.memory_space<vmem_shared>> -> memref<128x128xf32, #tpu.memory_space<vmem_shared>>
      tpu.wait_dma2 semaphore(%run_scoped3A : memref<!tpu.dma_semaphore, #tpu.memory_space<semaphore_mem>>) src(%arg8 : memref<128x128xf32, #tpu.memory_space<vmem>>) dst(%dma_wait3A_28 : memref<128x128xf32, #tpu.memory_space<vmem_shared>>)
      tpu.yield
    }) : () -> ()
    %barrier3A = arith.constant 0 : index
    tpu.barrier barrier_id(%barrier3A)
    "tpu.region"() ({
      %run_scoped3A = tpu.sem_alloc : memref<!tpu.dma_semaphore, #tpu.memory_space<semaphore_mem>>
      %dma_start3A = arith.constant 0 : i32
      %dma_start3A_23 = arith.constant 0 : i32
      %dma_start3A_24 = tpu.memref_slice %arg3[%add3A, %dma_start3A, %dma_start3A_23] : memref<32x80x128xi32, #tpu.memory_space<hbm>> -> memref<1x80x128xi32, #tpu.memory_space<hbm>>
      %dma_start3A_25 = tpu.memref_squeeze %dma_start3A_24 : memref<1x80x128xi32, #tpu.memory_space<hbm>> -> memref<80x128xi32, #tpu.memory_space<hbm>>
      %dma_start3A_26 = arith.constant 0 : i32
      %dma_start3A_27 = arith.constant 0 : i32
      %dma_start3A_28 = tpu.memref_slice %arg3[%add3A, %dma_start3A_26, %dma_start3A_27] : memref<32x80x128xi32, #tpu.memory_space<hbm>> -> memref<1x80x128xi32, #tpu.memory_space<hbm>>
      %dma_start3A_29 = tpu.memref_squeeze %dma_start3A_28 : memref<1x80x128xi32, #tpu.memory_space<hbm>> -> memref<80x128xi32, #tpu.memory_space<hbm>>
      tpu.enqueue_dma source(%dma_start3A_29 : memref<80x128xi32, #tpu.memory_space<hbm>>) target(%arg6 : memref<80x128xi32, #tpu.memory_space<vmem>>) target_semaphore(%run_scoped3A : memref<!tpu.dma_semaphore, #tpu.memory_space<semaphore_mem>>)
      %dma_wait3A = arith.constant 0 : i32
      %dma_wait3A_30 = arith.constant 0 : i32
      %dma_wait3A_31 = tpu.memref_slice %arg3[%add3A, %dma_wait3A, %dma_wait3A_30] : memref<32x80x128xi32, #tpu.memory_space<hbm>> -> memref<1x80x128xi32, #tpu.memory_space<hbm>>
      %dma_wait3A_32 = tpu.memref_squeeze %dma_wait3A_31 : memref<1x80x128xi32, #tpu.memory_space<hbm>> -> memref<80x128xi32, #tpu.memory_space<hbm>>
      %dma_wait3A_33 = arith.constant 0 : i32
      %dma_wait3A_34 = arith.constant 0 : i32
      %dma_wait3A_35 = tpu.memref_slice %arg3[%add3A, %dma_wait3A_33, %dma_wait3A_34] : memref<32x80x128xi32, #tpu.memory_space<hbm>> -> memref<1x80x128xi32, #tpu.memory_space<hbm>>
      %dma_wait3A_36 = tpu.memref_squeeze %dma_wait3A_35 : memref<1x80x128xi32, #tpu.memory_space<hbm>> -> memref<80x128xi32, #tpu.memory_space<hbm>>
      tpu.wait_dma2 semaphore(%run_scoped3A : memref<!tpu.dma_semaphore, #tpu.memory_space<semaphore_mem>>) src(%dma_wait3A_36 : memref<80x128xi32, #tpu.memory_space<hbm>>) dst(%arg6 : memref<80x128xi32, #tpu.memory_space<vmem>>)
      tpu.yield
    }) : () -> ()
    "tpu.region"() ({
      %run_scoped3A = tpu.sem_alloc : memref<!tpu.dma_semaphore, #tpu.memory_space<semaphore_mem>>
      %dma_start3A = arith.constant 0 : i32
      %dma_start3A_23 = arith.constant 0 : i32
      %dma_start3A_24 = tpu.memref_slice %arg4[%add3A, %dma_start3A, %dma_start3A_23] : memref<32x80x128xi32, #tpu.memory_space<hbm>> -> memref<1x80x128xi32, #tpu.memory_space<hbm>>
      %dma_start3A_25 = tpu.memref_squeeze %dma_start3A_24 : memref<1x80x128xi32, #tpu.memory_space<hbm>> -> memref<80x128xi32, #tpu.memory_space<hbm>>
      %dma_start3A_26 = arith.constant 0 : i32
      %dma_start3A_27 = arith.constant 0 : i32
      %dma_start3A_28 = tpu.memref_slice %arg4[%add3A, %dma_start3A_26, %dma_start3A_27] : memref<32x80x128xi32, #tpu.memory_space<hbm>> -> memref<1x80x128xi32, #tpu.memory_space<hbm>>
      %dma_start3A_29 = tpu.memref_squeeze %dma_start3A_28 : memref<1x80x128xi32, #tpu.memory_space<hbm>> -> memref<80x128xi32, #tpu.memory_space<hbm>>
      tpu.enqueue_dma source(%dma_start3A_29 : memref<80x128xi32, #tpu.memory_space<hbm>>) target(%arg7 : memref<80x128xi32, #tpu.memory_space<vmem>>) target_semaphore(%run_scoped3A : memref<!tpu.dma_semaphore, #tpu.memory_space<semaphore_mem>>)
      %dma_wait3A = arith.constant 0 : i32
      %dma_wait3A_30 = arith.constant 0 : i32
      %dma_wait3A_31 = tpu.memref_slice %arg4[%add3A, %dma_wait3A, %dma_wait3A_30] : memref<32x80x128xi32, #tpu.memory_space<hbm>> -> memref<1x80x128xi32, #tpu.memory_space<hbm>>
      %dma_wait3A_32 = tpu.memref_squeeze %dma_wait3A_31 : memref<1x80x128xi32, #tpu.memory_space<hbm>> -> memref<80x128xi32, #tpu.memory_space<hbm>>
      %dma_wait3A_33 = arith.constant 0 : i32
      %dma_wait3A_34 = arith.constant 0 : i32
      %dma_wait3A_35 = tpu.memref_slice %arg4[%add3A, %dma_wait3A_33, %dma_wait3A_34] : memref<32x80x128xi32, #tpu.memory_space<hbm>> -> memref<1x80x128xi32, #tpu.memory_space<hbm>>
      %dma_wait3A_36 = tpu.memref_squeeze %dma_wait3A_35 : memref<1x80x128xi32, #tpu.memory_space<hbm>> -> memref<80x128xi32, #tpu.memory_space<hbm>>
      tpu.wait_dma2 semaphore(%run_scoped3A : memref<!tpu.dma_semaphore, #tpu.memory_space<semaphore_mem>>) src(%dma_wait3A_36 : memref<80x128xi32, #tpu.memory_space<hbm>>) dst(%arg7 : memref<80x128xi32, #tpu.memory_space<vmem>>)
      tpu.yield
    }) : () -> ()
    %scan3A_17 = arith.constant 0 : i32
    %scan3A_18 = arith.constant 79 : i32
    %scan3A_19 = arith.addi %scan3A_17, %scan3A_18 : i32
    %scan3A_20 = arith.constant 1 : i32
    scf.for %scan3A_23 = %scan3A_17 to %scan3A_19 step %scan3A_20  : i32 {
      %mul3A_24 = arith.constant 1 : i32
      %mul3A_25 = arith.muli %scan3A_23, %mul3A_24 : i32
      %add3A_26 = arith.constant 0 : i32
      %add3A_27 = arith.addi %add3A_26, %mul3A_25 : i32
      %dma_start3A = arith.constant 0 : i32
      %dma_start3A_28 = tpu.memref_slice %arg6[%add3A_27, %dma_start3A] : memref<80x128xi32, #tpu.memory_space<vmem>> -> memref<1x128xi32, #tpu.memory_space<vmem>>
      %dma_start3A_29 = tpu.memref_squeeze %dma_start3A_28 : memref<1x128xi32, #tpu.memory_space<vmem>> -> memref<128xi32, #tpu.memory_space<vmem>>
      %dma_start3A_30 = arith.constant 0 : i32
      %dma_start3A_31 = arith.constant 0 : i32
      %dma_start3A_32 = tpu.memref_slice %arg2[%dma_start3A_30, %dma_start3A_31] : memref<10000x128xf32, #tpu.memory_space<hbm>> -> memref<10000x128xf32, #tpu.memory_space<hbm>>
      tpu.enqueue_indirect_dma source(%dma_start3A_32 : memref<10000x128xf32, #tpu.memory_space<hbm>>) target(%arg8 : memref<128x128xf32, #tpu.memory_space<vmem>>) offsets(%dma_start3A_29 : memref<128xi32, #tpu.memory_space<vmem>>) semaphore(%arg10 : memref<!tpu.dma_semaphore, #tpu.memory_space<semaphore_mem>>)
      %dma_wait3A = arith.constant 0 : i32
      %dma_wait3A_33 = tpu.memref_slice %arg6[%add3A_27, %dma_wait3A] : memref<80x128xi32, #tpu.memory_space<vmem>> -> memref<1x128xi32, #tpu.memory_space<vmem>>
      %dma_wait3A_34 = tpu.memref_squeeze %dma_wait3A_33 : memref<1x128xi32, #tpu.memory_space<vmem>> -> memref<128xi32, #tpu.memory_space<vmem>>
      %dma_wait3A_35 = arith.constant 0 : i32
      %dma_wait3A_36 = arith.constant 0 : i32
      %dma_wait3A_37 = tpu.memref_slice %arg2[%dma_wait3A_35, %dma_wait3A_36] : memref<10000x128xf32, #tpu.memory_space<hbm>> -> memref<10000x128xf32, #tpu.memory_space<hbm>>
      tpu.wait_indirect_dma semaphore(%arg10 : memref<!tpu.dma_semaphore, #tpu.memory_space<semaphore_mem>>) src(%dma_wait3A_37 : memref<10000x128xf32, #tpu.memory_space<hbm>>) dst(%arg8 : memref<128x128xf32, #tpu.memory_space<vmem>>)
      "tpu.region"() ({
        %run_scoped3A = tpu.sem_alloc : memref<!tpu.dma_semaphore, #tpu.memory_space<semaphore_mem>>
        %dma_start3A_38 = arith.constant 0 : i32
        %dma_start3A_39 = tpu.memref_slice %arg7[%add3A_27, %dma_start3A_38] : memref<80x128xi32, #tpu.memory_space<vmem>> -> memref<1x128xi32, #tpu.memory_space<vmem>>
        %dma_start3A_40 = tpu.memref_squeeze %dma_start3A_39 : memref<1x128xi32, #tpu.memory_space<vmem>> -> memref<128xi32, #tpu.memory_space<vmem>>
        %dma_start3A_41 = arith.constant 0 : i32
        %dma_start3A_42 = arith.constant 0 : i32
        %dma_start3A_43 = tpu.memref_slice %arg9[%dma_start3A_41, %dma_start3A_42] : memref<10240x128xf32, #tpu.memory_space<vmem_shared>> -> memref<10240x128xf32, #tpu.memory_space<vmem_shared>>
        tpu.enqueue_indirect_dma source(%arg8 : memref<128x128xf32, #tpu.memory_space<vmem>>) target(%dma_start3A_43 : memref<10240x128xf32, #tpu.memory_space<vmem_shared>>) offsets(%dma_start3A_40 : memref<128xi32, #tpu.memory_space<vmem>>) semaphore(%run_scoped3A : memref<!tpu.dma_semaphore, #tpu.memory_space<semaphore_mem>>) {add = true}
        %dma_wait3A_44 = arith.constant 0 : i32
        %dma_wait3A_45 = tpu.memref_slice %arg7[%add3A_27, %dma_wait3A_44] : memref<80x128xi32, #tpu.memory_space<vmem>> -> memref<1x128xi32, #tpu.memory_space<vmem>>
        %dma_wait3A_46 = tpu.memref_squeeze %dma_wait3A_45 : memref<1x128xi32, #tpu.memory_space<vmem>> -> memref<128xi32, #tpu.memory_space<vmem>>
        %dma_wait3A_47 = arith.constant 0 : i32
        %dma_wait3A_48 = arith.constant 0 : i32
        %dma_wait3A_49 = tpu.memref_slice %arg9[%dma_wait3A_47, %dma_wait3A_48] : memref<10240x128xf32, #tpu.memory_space<vmem_shared>> -> memref<10240x128xf32, #tpu.memory_space<vmem_shared>>
        tpu.wait_indirect_dma semaphore(%run_scoped3A : memref<!tpu.dma_semaphore, #tpu.memory_space<semaphore_mem>>) src(%arg8 : memref<128x128xf32, #tpu.memory_space<vmem>>) dst(%dma_wait3A_49 : memref<10240x128xf32, #tpu.memory_space<vmem_shared>>)
        tpu.yield
      }) : () -> ()
    }
    %scan3A_21 = arith.constant 79 : i32
    %barrier3A_22 = arith.constant 0 : index
    tpu.barrier barrier_id(%barrier3A_22)
    "tpu.region"() ({
      %run_scoped3A = tpu.sem_alloc : memref<!tpu.dma_semaphore, #tpu.memory_space<semaphore_mem>>
      %dma_start3A = arith.constant 0 : i32
      %dma_start3A_23 = tpu.memref_slice %arg5[%arg0, %mul3A_6, %dma_start3A] : memref<2x10240x128xf32, #tpu.memory_space<hbm>> -> memref<1x640x128xf32, #tpu.memory_space<hbm>>
      %dma_start3A_24 = tpu.memref_squeeze %dma_start3A_23 : memref<1x640x128xf32, #tpu.memory_space<hbm>> -> memref<640x128xf32, #tpu.memory_space<hbm>>
      %dma_start3A_25 = arith.constant 0 : i32
      %dma_start3A_26 = tpu.memref_slice %arg9[%mul3A_6, %dma_start3A_25] : memref<10240x128xf32, #tpu.memory_space<vmem_shared>> -> memref<640x128xf32, #tpu.memory_space<vmem_shared>>
      tpu.enqueue_dma source(%dma_start3A_26 : memref<640x128xf32, #tpu.memory_space<vmem_shared>>) target(%dma_start3A_24 : memref<640x128xf32, #tpu.memory_space<hbm>>) target_semaphore(%run_scoped3A : memref<!tpu.dma_semaphore, #tpu.memory_space<semaphore_mem>>)
      %dma_wait3A = arith.constant 0 : i32
      %dma_wait3A_27 = tpu.memref_slice %arg5[%arg0, %mul3A_6, %dma_wait3A] : memref<2x10240x128xf32, #tpu.memory_space<hbm>> -> memref<1x640x128xf32, #tpu.memory_space<hbm>>
      %dma_wait3A_28 = tpu.memref_squeeze %dma_wait3A_27 : memref<1x640x128xf32, #tpu.memory_space<hbm>> -> memref<640x128xf32, #tpu.memory_space<hbm>>
      %dma_wait3A_29 = arith.constant 0 : i32
      %dma_wait3A_30 = tpu.memref_slice %arg9[%mul3A_6, %dma_wait3A_29] : memref<10240x128xf32, #tpu.memory_space<vmem_shared>> -> memref<640x128xf32, #tpu.memory_space<vmem_shared>>
      tpu.wait_dma2 semaphore(%run_scoped3A : memref<!tpu.dma_semaphore, #tpu.memory_space<semaphore_mem>>) src(%dma_wait3A_30 : memref<640x128xf32, #tpu.memory_space<vmem_shared>>) dst(%dma_wait3A_28 : memref<640x128xf32, #tpu.memory_space<hbm>>)
      tpu.yield
    }) : () -> ()
    return
  }
}

#map = affine_map<(d0, d1) -> (0, 0)>
#map1 = affine_map<(d0, d1) -> (0, 0, 0)>
module attributes {stable_mosaic.version = 14 : i64} {
  func.func @_mp_body(%arg0: i32, %arg1: i32, %arg2: memref<10000x128xf32, #tpu.memory_space<hbm>>, %arg3: memref<32x80x128xi32, #tpu.memory_space<hbm>>, %arg4: memref<32x80x128xi32, #tpu.memory_space<hbm>>, %arg5: memref<2x10240x128xf32, #tpu.memory_space<hbm>>, %arg6: memref<80x128xi32, #tpu.memory_space<vmem>>, %arg7: memref<80x128xi32, #tpu.memory_space<vmem>>, %arg8: memref<128x128xf32, #tpu.memory_space<vmem>>, %arg9: memref<10240x128xf32, #tpu.memory_space<vmem_shared>>, %arg10: memref<!tpu.dma_semaphore, #tpu.memory_space<semaphore_mem>>) attributes {dimension_semantics = [#tpu.dimension_semantics<core_parallel>, #tpu.dimension_semantics<subcore_parallel>], iteration_bounds = array<i64: 2, 16>, scalar_prefetch = 0 : i64, scratch_operands = 5 : i64, tpu.core_type = #tpu.core_type<sc_vector_subcore>, window_params = [{transform_indices = #map}, {transform_indices = #map1}, {transform_indices = #map1}, {transform_indices = #map1}]} {
    %mul3A = arith.constant 16 : i32
    %mul3A_0 = arith.muli %arg0, %mul3A : i32
    %add3A = arith.addi %mul3A_0, %arg1 : i32
    %scan3A = arith.constant 0 : i32
    %scan3A_1 = arith.constant 128 : i32
    %scan3A_2 = arith.addi %scan3A, %scan3A_1 : i32
    %scan3A_3 = arith.constant 1 : i32
    scf.for %scan3A_23 = %scan3A to %scan3A_2 step %scan3A_3  : i32 {
      %mul3A_24 = arith.constant 1 : i32
      %mul3A_25 = arith.muli %scan3A_23, %mul3A_24 : i32
      %add3A_26 = arith.constant 0 : i32
      %add3A_27 = arith.addi %add3A_26, %mul3A_25 : i32
      %scan3A_28 = arith.constant 0 : i32
      %scan3A_29 = arith.constant 8 : i32
      %scan3A_30 = arith.addi %scan3A_28, %scan3A_29 : i32
      %scan3A_31 = arith.constant 1 : i32
      scf.for %scan3A_33 = %scan3A_28 to %scan3A_30 step %scan3A_31  : i32 {
        %mul3A_34 = arith.constant 16 : i32
        %mul3A_35 = arith.muli %scan3A_33, %mul3A_34 : i32
        %add3A_36 = arith.constant 0 : i32
        %add3A_37 = arith.addi %add3A_36, %mul3A_35 : i32
        %broadcast_in_dim3A = arith.constant 0.000000e+00 : f32
        %broadcast_in_dim3A_38 = vector.broadcast %broadcast_in_dim3A : f32 to vector<16xf32>
        %swap3A = arith.index_cast %add3A_27 : i32 to index
        %swap3A_39 = arith.index_cast %add3A_37 : i32 to index
        %swap3A_40 = tpu.vector_load %arg8[%swap3A, %swap3A_39] {strides = array<i32>} : memref<128x128xf32, #tpu.memory_space<vmem>>, vector<1x16xf32>,
        %swap3A_41 = vector.shape_cast %swap3A_40 : vector<1x16xf32> to vector<16xf32>
        %swap3A_42 = vector.shape_cast %broadcast_in_dim3A_38 : vector<16xf32> to vector<1x16xf32>
        tpu.vector_store %arg8[%swap3A, %swap3A_39], %swap3A_42 {strides = array<i32>} : memref<128x128xf32, #tpu.memory_space<vmem>>, vector<1x16xf32>,
      }
      %scan3A_32 = arith.constant 8 : i32
    }
    %scan3A_4 = arith.constant 128 : i32
    %mul3A_5 = arith.constant 640 : i32
    %mul3A_6 = arith.muli %arg1, %mul3A_5 : i32
    %add3A_7 = arith.constant 0 : i32
    %add3A_8 = arith.addi %mul3A_6, %add3A_7 : i32
    "tpu.region"() ({
      %run_scoped3A = tpu.sem_alloc : memref<!tpu.dma_semaphore, #tpu.memory_space<semaphore_mem>>
      %dma_start3A = arith.constant 0 : i32
      %dma_start3A_23 = tpu.memref_slice %arg9[%add3A_8, %dma_start3A] : memref<10240x128xf32, #tpu.memory_space<vmem_shared>> -> memref<128x128xf32, #tpu.memory_space<vmem_shared>>
      %dma_start3A_24 = arith.constant 0 : i32
      %dma_start3A_25 = tpu.memref_slice %arg9[%add3A_8, %dma_start3A_24] : memref<10240x128xf32, #tpu.memory_space<vmem_shared>> -> memref<128x128xf32, #tpu.memory_space<vmem_shared>>
      tpu.enqueue_dma source(%arg8 : memref<128x128xf32, #tpu.memory_space<vmem>>) target(%dma_start3A_25 : memref<128x128xf32, #tpu.memory_space<vmem_shared>>) target_semaphore(%run_scoped3A : memref<!tpu.dma_semaphore, #tpu.memory_space<semaphore_mem>>)
      %dma_wait3A = arith.constant 0 : i32
      %dma_wait3A_26 = tpu.memref_slice %arg9[%add3A_8, %dma_wait3A] : memref<10240x128xf32, #tpu.memory_space<vmem_shared>> -> memref<128x128xf32, #tpu.memory_space<vmem_shared>>
      %dma_wait3A_27 = arith.constant 0 : i32
      %dma_wait3A_28 = tpu.memref_slice %arg9[%add3A_8, %dma_wait3A_27] : memref<10240x128xf32, #tpu.memory_space<vmem_shared>> -> memref<128x128xf32, #tpu.memory_space<vmem_shared>>
      tpu.wait_dma2 semaphore(%run_scoped3A : memref<!tpu.dma_semaphore, #tpu.memory_space<semaphore_mem>>) src(%arg8 : memref<128x128xf32, #tpu.memory_space<vmem>>) dst(%dma_wait3A_28 : memref<128x128xf32, #tpu.memory_space<vmem_shared>>)
      tpu.yield
    }) : () -> ()
    %add3A_9 = arith.constant 128 : i32
    %add3A_10 = arith.addi %mul3A_6, %add3A_9 : i32
    "tpu.region"() ({
      %run_scoped3A = tpu.sem_alloc : memref<!tpu.dma_semaphore, #tpu.memory_space<semaphore_mem>>
      %dma_start3A = arith.constant 0 : i32
      %dma_start3A_23 = tpu.memref_slice %arg9[%add3A_10, %dma_start3A] : memref<10240x128xf32, #tpu.memory_space<vmem_shared>> -> memref<128x128xf32, #tpu.memory_space<vmem_shared>>
      %dma_start3A_24 = arith.constant 0 : i32
      %dma_start3A_25 = tpu.memref_slice %arg9[%add3A_10, %dma_start3A_24] : memref<10240x128xf32, #tpu.memory_space<vmem_shared>> -> memref<128x128xf32, #tpu.memory_space<vmem_shared>>
      tpu.enqueue_dma source(%arg8 : memref<128x128xf32, #tpu.memory_space<vmem>>) target(%dma_start3A_25 : memref<128x128xf32, #tpu.memory_space<vmem_shared>>) target_semaphore(%run_scoped3A : memref<!tpu.dma_semaphore, #tpu.memory_space<semaphore_mem>>)
      %dma_wait3A = arith.constant 0 : i32
      %dma_wait3A_26 = tpu.memref_slice %arg9[%add3A_10, %dma_wait3A] : memref<10240x128xf32, #tpu.memory_space<vmem_shared>> -> memref<128x128xf32, #tpu.memory_space<vmem_shared>>
      %dma_wait3A_27 = arith.constant 0 : i32
      %dma_wait3A_28 = tpu.memref_slice %arg9[%add3A_10, %dma_wait3A_27] : memref<10240x128xf32, #tpu.memory_space<vmem_shared>> -> memref<128x128xf32, #tpu.memory_space<vmem_shared>>
      tpu.wait_dma2 semaphore(%run_scoped3A : memref<!tpu.dma_semaphore, #tpu.memory_space<semaphore_mem>>) src(%arg8 : memref<128x128xf32, #tpu.memory_space<vmem>>) dst(%dma_wait3A_28 : memref<128x128xf32, #tpu.memory_space<vmem_shared>>)
      tpu.yield
    }) : () -> ()
    %add3A_11 = arith.constant 256 : i32
    %add3A_12 = arith.addi %mul3A_6, %add3A_11 : i32
    "tpu.region"() ({
      %run_scoped3A = tpu.sem_alloc : memref<!tpu.dma_semaphore, #tpu.memory_space<semaphore_mem>>
      %dma_start3A = arith.constant 0 : i32
      %dma_start3A_23 = tpu.memref_slice %arg9[%add3A_12, %dma_start3A] : memref<10240x128xf32, #tpu.memory_space<vmem_shared>> -> memref<128x128xf32, #tpu.memory_space<vmem_shared>>
      %dma_start3A_24 = arith.constant 0 : i32
      %dma_start3A_25 = tpu.memref_slice %arg9[%add3A_12, %dma_start3A_24] : memref<10240x128xf32, #tpu.memory_space<vmem_shared>> -> memref<128x128xf32, #tpu.memory_space<vmem_shared>>
      tpu.enqueue_dma source(%arg8 : memref<128x128xf32, #tpu.memory_space<vmem>>) target(%dma_start3A_25 : memref<128x128xf32, #tpu.memory_space<vmem_shared>>) target_semaphore(%run_scoped3A : memref<!tpu.dma_semaphore, #tpu.memory_space<semaphore_mem>>)
      %dma_wait3A = arith.constant 0 : i32
      %dma_wait3A_26 = tpu.memref_slice %arg9[%add3A_12, %dma_wait3A] : memref<10240x128xf32, #tpu.memory_space<vmem_shared>> -> memref<128x128xf32, #tpu.memory_space<vmem_shared>>
      %dma_wait3A_27 = arith.constant 0 : i32
      %dma_wait3A_28 = tpu.memref_slice %arg9[%add3A_12, %dma_wait3A_27] : memref<10240x128xf32, #tpu.memory_space<vmem_shared>> -> memref<128x128xf32, #tpu.memory_space<vmem_shared>>
      tpu.wait_dma2 semaphore(%run_scoped3A : memref<!tpu.dma_semaphore, #tpu.memory_space<semaphore_mem>>) src(%arg8 : memref<128x128xf32, #tpu.memory_space<vmem>>) dst(%dma_wait3A_28 : memref<128x128xf32, #tpu.memory_space<vmem_shared>>)
      tpu.yield
    }) : () -> ()
    %add3A_13 = arith.constant 384 : i32
    %add3A_14 = arith.addi %mul3A_6, %add3A_13 : i32
    "tpu.region"() ({
      %run_scoped3A = tpu.sem_alloc : memref<!tpu.dma_semaphore, #tpu.memory_space<semaphore_mem>>
      %dma_start3A = arith.constant 0 : i32
      %dma_start3A_23 = tpu.memref_slice %arg9[%add3A_14, %dma_start3A] : memref<10240x128xf32, #tpu.memory_space<vmem_shared>> -> memref<128x128xf32, #tpu.memory_space<vmem_shared>>
      %dma_start3A_24 = arith.constant 0 : i32
      %dma_start3A_25 = tpu.memref_slice %arg9[%add3A_14, %dma_start3A_24] : memref<10240x128xf32, #tpu.memory_space<vmem_shared>> -> memref<128x128xf32, #tpu.memory_space<vmem_shared>>
      tpu.enqueue_dma source(%arg8 : memref<128x128xf32, #tpu.memory_space<vmem>>) target(%dma_start3A_25 : memref<128x128xf32, #tpu.memory_space<vmem_shared>>) target_semaphore(%run_scoped3A : memref<!tpu.dma_semaphore, #tpu.memory_space<semaphore_mem>>)
      %dma_wait3A = arith.constant 0 : i32
      %dma_wait3A_26 = tpu.memref_slice %arg9[%add3A_14, %dma_wait3A] : memref<10240x128xf32, #tpu.memory_space<vmem_shared>> -> memref<128x128xf32, #tpu.memory_space<vmem_shared>>
      %dma_wait3A_27 = arith.constant 0 : i32
      %dma_wait3A_28 = tpu.memref_slice %arg9[%add3A_14, %dma_wait3A_27] : memref<10240x128xf32, #tpu.memory_space<vmem_shared>> -> memref<128x128xf32, #tpu.memory_space<vmem_shared>>
      tpu.wait_dma2 semaphore(%run_scoped3A : memref<!tpu.dma_semaphore, #tpu.memory_space<semaphore_mem>>) src(%arg8 : memref<128x128xf32, #tpu.memory_space<vmem>>) dst(%dma_wait3A_28 : memref<128x128xf32, #tpu.memory_space<vmem_shared>>)
      tpu.yield
    }) : () -> ()
    %add3A_15 = arith.constant 512 : i32
    %add3A_16 = arith.addi %mul3A_6, %add3A_15 : i32
    "tpu.region"() ({
      %run_scoped3A = tpu.sem_alloc : memref<!tpu.dma_semaphore, #tpu.memory_space<semaphore_mem>>
      %dma_start3A = arith.constant 0 : i32
      %dma_start3A_23 = tpu.memref_slice %arg9[%add3A_16, %dma_start3A] : memref<10240x128xf32, #tpu.memory_space<vmem_shared>> -> memref<128x128xf32, #tpu.memory_space<vmem_shared>>
      %dma_start3A_24 = arith.constant 0 : i32
      %dma_start3A_25 = tpu.memref_slice %arg9[%add3A_16, %dma_start3A_24] : memref<10240x128xf32, #tpu.memory_space<vmem_shared>> -> memref<128x128xf32, #tpu.memory_space<vmem_shared>>
      tpu.enqueue_dma source(%arg8 : memref<128x128xf32, #tpu.memory_space<vmem>>) target(%dma_start3A_25 : memref<128x128xf32, #tpu.memory_space<vmem_shared>>) target_semaphore(%run_scoped3A : memref<!tpu.dma_semaphore, #tpu.memory_space<semaphore_mem>>)
      %dma_wait3A = arith.constant 0 : i32
      %dma_wait3A_26 = tpu.memref_slice %arg9[%add3A_16, %dma_wait3A] : memref<10240x128xf32, #tpu.memory_space<vmem_shared>> -> memref<128x128xf32, #tpu.memory_space<vmem_shared>>
      %dma_wait3A_27 = arith.constant 0 : i32
      %dma_wait3A_28 = tpu.memref_slice %arg9[%add3A_16, %dma_wait3A_27] : memref<10240x128xf32, #tpu.memory_space<vmem_shared>> -> memref<128x128xf32, #tpu.memory_space<vmem_shared>>
      tpu.wait_dma2 semaphore(%run_scoped3A : memref<!tpu.dma_semaphore, #tpu.memory_space<semaphore_mem>>) src(%arg8 : memref<128x128xf32, #tpu.memory_space<vmem>>) dst(%dma_wait3A_28 : memref<128x128xf32, #tpu.memory_space<vmem_shared>>)
      tpu.yield
    }) : () -> ()
    %barrier3A = arith.constant 0 : index
    tpu.barrier barrier_id(%barrier3A)
    "tpu.region"() ({
      %run_scoped3A = tpu.sem_alloc : memref<!tpu.dma_semaphore, #tpu.memory_space<semaphore_mem>>
      %dma_start3A = arith.constant 0 : i32
      %dma_start3A_23 = arith.constant 0 : i32
      %dma_start3A_24 = tpu.memref_slice %arg3[%add3A, %dma_start3A, %dma_start3A_23] : memref<32x80x128xi32, #tpu.memory_space<hbm>> -> memref<1x80x128xi32, #tpu.memory_space<hbm>>
      %dma_start3A_25 = tpu.memref_squeeze %dma_start3A_24 : memref<1x80x128xi32, #tpu.memory_space<hbm>> -> memref<80x128xi32, #tpu.memory_space<hbm>>
      %dma_start3A_26 = arith.constant 0 : i32
      %dma_start3A_27 = arith.constant 0 : i32
      %dma_start3A_28 = tpu.memref_slice %arg3[%add3A, %dma_start3A_26, %dma_start3A_27] : memref<32x80x128xi32, #tpu.memory_space<hbm>> -> memref<1x80x128xi32, #tpu.memory_space<hbm>>
      %dma_start3A_29 = tpu.memref_squeeze %dma_start3A_28 : memref<1x80x128xi32, #tpu.memory_space<hbm>> -> memref<80x128xi32, #tpu.memory_space<hbm>>
      tpu.enqueue_dma source(%dma_start3A_29 : memref<80x128xi32, #tpu.memory_space<hbm>>) target(%arg6 : memref<80x128xi32, #tpu.memory_space<vmem>>) target_semaphore(%run_scoped3A : memref<!tpu.dma_semaphore, #tpu.memory_space<semaphore_mem>>)
      %dma_wait3A = arith.constant 0 : i32
      %dma_wait3A_30 = arith.constant 0 : i32
      %dma_wait3A_31 = tpu.memref_slice %arg3[%add3A, %dma_wait3A, %dma_wait3A_30] : memref<32x80x128xi32, #tpu.memory_space<hbm>> -> memref<1x80x128xi32, #tpu.memory_space<hbm>>
      %dma_wait3A_32 = tpu.memref_squeeze %dma_wait3A_31 : memref<1x80x128xi32, #tpu.memory_space<hbm>> -> memref<80x128xi32, #tpu.memory_space<hbm>>
      %dma_wait3A_33 = arith.constant 0 : i32
      %dma_wait3A_34 = arith.constant 0 : i32
      %dma_wait3A_35 = tpu.memref_slice %arg3[%add3A, %dma_wait3A_33, %dma_wait3A_34] : memref<32x80x128xi32, #tpu.memory_space<hbm>> -> memref<1x80x128xi32, #tpu.memory_space<hbm>>
      %dma_wait3A_36 = tpu.memref_squeeze %dma_wait3A_35 : memref<1x80x128xi32, #tpu.memory_space<hbm>> -> memref<80x128xi32, #tpu.memory_space<hbm>>
      tpu.wait_dma2 semaphore(%run_scoped3A : memref<!tpu.dma_semaphore, #tpu.memory_space<semaphore_mem>>) src(%dma_wait3A_36 : memref<80x128xi32, #tpu.memory_space<hbm>>) dst(%arg6 : memref<80x128xi32, #tpu.memory_space<vmem>>)
      tpu.yield
    }) : () -> ()
    "tpu.region"() ({
      %run_scoped3A = tpu.sem_alloc : memref<!tpu.dma_semaphore, #tpu.memory_space<semaphore_mem>>
      %dma_start3A = arith.constant 0 : i32
      %dma_start3A_23 = arith.constant 0 : i32
      %dma_start3A_24 = tpu.memref_slice %arg4[%add3A, %dma_start3A, %dma_start3A_23] : memref<32x80x128xi32, #tpu.memory_space<hbm>> -> memref<1x80x128xi32, #tpu.memory_space<hbm>>
      %dma_start3A_25 = tpu.memref_squeeze %dma_start3A_24 : memref<1x80x128xi32, #tpu.memory_space<hbm>> -> memref<80x128xi32, #tpu.memory_space<hbm>>
      %dma_start3A_26 = arith.constant 0 : i32
      %dma_start3A_27 = arith.constant 0 : i32
      %dma_start3A_28 = tpu.memref_slice %arg4[%add3A, %dma_start3A_26, %dma_start3A_27] : memref<32x80x128xi32, #tpu.memory_space<hbm>> -> memref<1x80x128xi32, #tpu.memory_space<hbm>>
      %dma_start3A_29 = tpu.memref_squeeze %dma_start3A_28 : memref<1x80x128xi32, #tpu.memory_space<hbm>> -> memref<80x128xi32, #tpu.memory_space<hbm>>
      tpu.enqueue_dma source(%dma_start3A_29 : memref<80x128xi32, #tpu.memory_space<hbm>>) target(%arg7 : memref<80x128xi32, #tpu.memory_space<vmem>>) target_semaphore(%run_scoped3A : memref<!tpu.dma_semaphore, #tpu.memory_space<semaphore_mem>>)
      %dma_wait3A = arith.constant 0 : i32
      %dma_wait3A_30 = arith.constant 0 : i32
      %dma_wait3A_31 = tpu.memref_slice %arg4[%add3A, %dma_wait3A, %dma_wait3A_30] : memref<32x80x128xi32, #tpu.memory_space<hbm>> -> memref<1x80x128xi32, #tpu.memory_space<hbm>>
      %dma_wait3A_32 = tpu.memref_squeeze %dma_wait3A_31 : memref<1x80x128xi32, #tpu.memory_space<hbm>> -> memref<80x128xi32, #tpu.memory_space<hbm>>
      %dma_wait3A_33 = arith.constant 0 : i32
      %dma_wait3A_34 = arith.constant 0 : i32
      %dma_wait3A_35 = tpu.memref_slice %arg4[%add3A, %dma_wait3A_33, %dma_wait3A_34] : memref<32x80x128xi32, #tpu.memory_space<hbm>> -> memref<1x80x128xi32, #tpu.memory_space<hbm>>
      %dma_wait3A_36 = tpu.memref_squeeze %dma_wait3A_35 : memref<1x80x128xi32, #tpu.memory_space<hbm>> -> memref<80x128xi32, #tpu.memory_space<hbm>>
      tpu.wait_dma2 semaphore(%run_scoped3A : memref<!tpu.dma_semaphore, #tpu.memory_space<semaphore_mem>>) src(%dma_wait3A_36 : memref<80x128xi32, #tpu.memory_space<hbm>>) dst(%arg7 : memref<80x128xi32, #tpu.memory_space<vmem>>)
      tpu.yield
    }) : () -> ()
    %scan3A_17 = arith.constant 0 : i32
    %scan3A_18 = arith.constant 79 : i32
    %scan3A_19 = arith.addi %scan3A_17, %scan3A_18 : i32
    %scan3A_20 = arith.constant 1 : i32
    scf.for %scan3A_23 = %scan3A_17 to %scan3A_19 step %scan3A_20  : i32 {
      %mul3A_24 = arith.constant 1 : i32
      %mul3A_25 = arith.muli %scan3A_23, %mul3A_24 : i32
      %add3A_26 = arith.constant 0 : i32
      %add3A_27 = arith.addi %add3A_26, %mul3A_25 : i32
      %dma_start3A = arith.constant 0 : i32
      %dma_start3A_28 = tpu.memref_slice %arg6[%add3A_27, %dma_start3A] : memref<80x128xi32, #tpu.memory_space<vmem>> -> memref<1x128xi32, #tpu.memory_space<vmem>>
      %dma_start3A_29 = tpu.memref_squeeze %dma_start3A_28 : memref<1x128xi32, #tpu.memory_space<vmem>> -> memref<128xi32, #tpu.memory_space<vmem>>
      %dma_start3A_30 = arith.constant 0 : i32
      %dma_start3A_31 = arith.constant 0 : i32
      %dma_start3A_32 = tpu.memref_slice %arg2[%dma_start3A_30, %dma_start3A_31] : memref<10000x128xf32, #tpu.memory_space<hbm>> -> memref<10000x128xf32, #tpu.memory_space<hbm>>
      tpu.enqueue_indirect_dma source(%dma_start3A_32 : memref<10000x128xf32, #tpu.memory_space<hbm>>) target(%arg8 : memref<128x128xf32, #tpu.memory_space<vmem>>) offsets(%dma_start3A_29 : memref<128xi32, #tpu.memory_space<vmem>>) semaphore(%arg10 : memref<!tpu.dma_semaphore, #tpu.memory_space<semaphore_mem>>)
      %dma_wait3A = arith.constant 0 : i32
      %dma_wait3A_33 = tpu.memref_slice %arg6[%add3A_27, %dma_wait3A] : memref<80x128xi32, #tpu.memory_space<vmem>> -> memref<1x128xi32, #tpu.memory_space<vmem>>
      %dma_wait3A_34 = tpu.memref_squeeze %dma_wait3A_33 : memref<1x128xi32, #tpu.memory_space<vmem>> -> memref<128xi32, #tpu.memory_space<vmem>>
      %dma_wait3A_35 = arith.constant 0 : i32
      %dma_wait3A_36 = arith.constant 0 : i32
      %dma_wait3A_37 = tpu.memref_slice %arg2[%dma_wait3A_35, %dma_wait3A_36] : memref<10000x128xf32, #tpu.memory_space<hbm>> -> memref<10000x128xf32, #tpu.memory_space<hbm>>
      tpu.wait_indirect_dma semaphore(%arg10 : memref<!tpu.dma_semaphore, #tpu.memory_space<semaphore_mem>>) src(%dma_wait3A_37 : memref<10000x128xf32, #tpu.memory_space<hbm>>) dst(%arg8 : memref<128x128xf32, #tpu.memory_space<vmem>>)
      "tpu.region"() ({
        %run_scoped3A = tpu.sem_alloc : memref<!tpu.dma_semaphore, #tpu.memory_space<semaphore_mem>>
        %dma_start3A_38 = arith.constant 0 : i32
        %dma_start3A_39 = tpu.memref_slice %arg7[%add3A_27, %dma_start3A_38] : memref<80x128xi32, #tpu.memory_space<vmem>> -> memref<1x128xi32, #tpu.memory_space<vmem>>
        %dma_start3A_40 = tpu.memref_squeeze %dma_start3A_39 : memref<1x128xi32, #tpu.memory_space<vmem>> -> memref<128xi32, #tpu.memory_space<vmem>>
        %dma_start3A_41 = arith.constant 0 : i32
        %dma_start3A_42 = arith.constant 0 : i32
        %dma_start3A_43 = tpu.memref_slice %arg9[%dma_start3A_41, %dma_start3A_42] : memref<10240x128xf32, #tpu.memory_space<vmem_shared>> -> memref<10240x128xf32, #tpu.memory_space<vmem_shared>>
        tpu.enqueue_indirect_dma source(%arg8 : memref<128x128xf32, #tpu.memory_space<vmem>>) target(%dma_start3A_43 : memref<10240x128xf32, #tpu.memory_space<vmem_shared>>) offsets(%dma_start3A_40 : memref<128xi32, #tpu.memory_space<vmem>>) semaphore(%run_scoped3A : memref<!tpu.dma_semaphore, #tpu.memory_space<semaphore_mem>>) {add = true}
        %dma_wait3A_44 = arith.constant 0 : i32
        %dma_wait3A_45 = tpu.memref_slice %arg7[%add3A_27, %dma_wait3A_44] : memref<80x128xi32, #tpu.memory_space<vmem>> -> memref<1x128xi32, #tpu.memory_space<vmem>>
        %dma_wait3A_46 = tpu.memref_squeeze %dma_wait3A_45 : memref<1x128xi32, #tpu.memory_space<vmem>> -> memref<128xi32, #tpu.memory_space<vmem>>
        %dma_wait3A_47 = arith.constant 0 : i32
        %dma_wait3A_48 = arith.constant 0 : i32
        %dma_wait3A_49 = tpu.memref_slice %arg9[%dma_wait3A_47, %dma_wait3A_48] : memref<10240x128xf32, #tpu.memory_space<vmem_shared>> -> memref<10240x128xf32, #tpu.memory_space<vmem_shared>>
        tpu.wait_indirect_dma semaphore(%run_scoped3A : memref<!tpu.dma_semaphore, #tpu.memory_space<semaphore_mem>>) src(%arg8 : memref<128x128xf32, #tpu.memory_space<vmem>>) dst(%dma_wait3A_49 : memref<10240x128xf32, #tpu.memory_space<vmem_shared>>)
        tpu.yield
      }) : () -> ()
    }
    %scan3A_21 = arith.constant 79 : i32
    %barrier3A_22 = arith.constant 0 : index
    tpu.barrier barrier_id(%barrier3A_22)
    "tpu.region"() ({
      %run_scoped3A = tpu.sem_alloc : memref<!tpu.dma_semaphore, #tpu.memory_space<semaphore_mem>>
      %dma_start3A = arith.constant 0 : i32
      %dma_start3A_23 = tpu.memref_slice %arg5[%arg0, %mul3A_6, %dma_start3A] : memref<2x10240x128xf32, #tpu.memory_space<hbm>> -> memref<1x640x128xf32, #tpu.memory_space<hbm>>
      %dma_start3A_24 = tpu.memref_squeeze %dma_start3A_23 : memref<1x640x128xf32, #tpu.memory_space<hbm>> -> memref<640x128xf32, #tpu.memory_space<hbm>>
      %dma_start3A_25 = arith.constant 0 : i32
      %dma_start3A_26 = tpu.memref_slice %arg9[%mul3A_6, %dma_start3A_25] : memref<10240x128xf32, #tpu.memory_space<vmem_shared>> -> memref<640x128xf32, #tpu.memory_space<vmem_shared>>
      tpu.enqueue_dma source(%dma_start3A_26 : memref<640x128xf32, #tpu.memory_space<vmem_shared>>) target(%dma_start3A_24 : memref<640x128xf32, #tpu.memory_space<hbm>>) target_semaphore(%run_scoped3A : memref<!tpu.dma_semaphore, #tpu.memory_space<semaphore_mem>>)
      %dma_wait3A = arith.constant 0 : i32
      %dma_wait3A_27 = tpu.memref_slice %arg5[%arg0, %mul3A_6, %dma_wait3A] : memref<2x10240x128xf32, #tpu.memory_space<hbm>> -> memref<1x640x128xf32, #tpu.memory_space<hbm>>
      %dma_wait3A_28 = tpu.memref_squeeze %dma_wait3A_27 : memref<1x640x128xf32, #tpu.memory_space<hbm>> -> memref<640x128xf32, #tpu.memory_space<hbm>>
      %dma_wait3A_29 = arith.constant 0 : i32
      %dma_wait3A_30 = tpu.memref_slice %arg9[%mul3A_6, %dma_wait3A_29] : memref<10240x128xf32, #tpu.memory_space<vmem_shared>> -> memref<640x128xf32, #tpu.memory_space<vmem_shared>>
      tpu.wait_dma2 semaphore(%run_scoped3A : memref<!tpu.dma_semaphore, #tpu.memory_space<semaphore_mem>>) src(%dma_wait3A_30 : memref<640x128xf32, #tpu.memory_space<vmem_shared>>) dst(%dma_wait3A_28 : memref<640x128xf32, #tpu.memory_space<hbm>>)
      tpu.yield
    }) : () -> ()
    return
  }
}

module attributes {stable_mosaic.version = 14 : i64} {
  func.func @_xw_body(%arg0: memref<10000x128xf32, #tpu.memory_space<vmem>>, %arg1: memref<128x128xf32, #tpu.memory_space<vmem>>, %arg2: memref<10000x128xf32, #tpu.memory_space<vmem>>) attributes {dimension_semantics = [], scalar_prefetch = 0 : i64, scratch_operands = 0 : i64, tpu.core_type = #tpu.core_type<tc>} {
    %get3A = arith.constant 0 : index
    %get3A_0 = arith.constant 0 : index
    %get3A_1 = vector.load %arg0[%get3A, %get3A_0] : memref<10000x128xf32, #tpu.memory_space<vmem>>, vector<10000x128xf32>
    %get3A_2 = arith.constant 0 : index
    %get3A_3 = arith.constant 0 : index
    %get3A_4 = vector.load %arg1[%get3A_2, %get3A_3] : memref<128x128xf32, #tpu.memory_space<vmem>>, vector<128x128xf32>
    %dot_general3A = arith.constant dense<0.000000e+00> : vector<10000x128xf32>
    %dot_general3A_5 = tpu.matmul %get3A_1, %get3A_4, %dot_general3A {dimension_numbers = #tpu.dot_dimension_numbers<[1], [0], [0], [1], [0, 0, 1, 1], [], []>, precision = #tpu.contract_precision<fp32>, transpose_lhs_hint = false} : vector<10000x128xf32>, vector<128x128xf32>, vector<10000x128xf32> -> vector<10000x128xf32>
    %swap3A = arith.constant 0 : index
    %swap3A_6 = arith.constant 0 : index
    %swap3A_7 = vector.load %arg2[%swap3A, %swap3A_6] : memref<10000x128xf32, #tpu.memory_space<vmem>>, vector<10000x128xf32>
    tpu.vector_store %arg2[%swap3A, %swap3A_6], %dot_general3A_5 {strides = array<i32>} : memref<10000x128xf32, #tpu.memory_space<vmem>>, vector<10000x128xf32>,
    return
  }
}

module attributes {stable_mosaic.version = 14 : i64} {
  func.func @_prep_body(%arg0: memref<2x10240x16xf32, #tpu.memory_space<vmem>>, %arg1: memref<10000x128xf32, #tpu.memory_space<vmem>>, %arg2: memref<10000x128xf32, #tpu.memory_space<vmem>>, %arg3: memref<10000x1xf32, #tpu.memory_space<vmem>>) attributes {dimension_semantics = [], scalar_prefetch = 0 : i64, scratch_operands = 0 : i64, tpu.core_type = #tpu.core_type<tc>} {
    %get3A = arith.constant 0 : index
    %get3A_0 = arith.constant 0 : index
    %get3A_1 = arith.constant 0 : index
    %get3A_2 = vector.load %arg0[%get3A, %get3A_0, %get3A_1] : memref<2x10240x16xf32, #tpu.memory_space<vmem>>, vector<1x10240x16xf32>
    %get3A_3 = vector.shape_cast %get3A_2 : vector<1x10240x16xf32> to vector<10240x16xf32>
    %get3A_4 = arith.constant 1 : index
    %get3A_5 = arith.constant 0 : index
    %get3A_6 = arith.constant 0 : index
    %get3A_7 = vector.load %arg0[%get3A_4, %get3A_5, %get3A_6] : memref<2x10240x16xf32, #tpu.memory_space<vmem>>, vector<1x10240x16xf32>
    %get3A_8 = vector.shape_cast %get3A_7 : vector<1x10240x16xf32> to vector<10240x16xf32>
    %slice3A = vector.extract_strided_slice %get3A_3 {offsets = [0, 0], sizes = [10000, 1], strides = [1, 1]} : vector<10240x16xf32> to vector<10000x1xf32>
    %slice3A_9 = vector.extract_strided_slice %get3A_8 {offsets = [0, 0], sizes = [10000, 1], strides = [1, 1]} : vector<10240x16xf32> to vector<10000x1xf32>
    %add3A = arith.addf %slice3A, %slice3A_9 : vector<10000x1xf32>
    %add3A_10 = arith.constant 1.000000e+00 : f32
    %add3A_11 = vector.broadcast %add3A_10 : f32 to vector<10000x1xf32>
    %add3A_12 = arith.addf %add3A, %add3A_11 : vector<10000x1xf32>
    %rsqrt3A = math.rsqrt %add3A_12 : vector<10000x1xf32>
    %swap3A = arith.constant 0 : index
    %swap3A_13 = arith.constant 0 : index
    %swap3A_14 = vector.load %arg3[%swap3A, %swap3A_13] : memref<10000x1xf32, #tpu.memory_space<vmem>>, vector<10000x1xf32>
    tpu.vector_store %arg3[%swap3A, %swap3A_13], %rsqrt3A {strides = array<i32>} : memref<10000x1xf32, #tpu.memory_space<vmem>>, vector<10000x1xf32>,
    %get3A_15 = arith.constant 0 : index
    %get3A_16 = arith.constant 0 : index
    %get3A_17 = vector.load %arg1[%get3A_15, %get3A_16] : memref<10000x128xf32, #tpu.memory_space<vmem>>, vector<10000x128xf32>
    %mul3A = vector.broadcast %rsqrt3A : vector<10000x1xf32> to vector<10000x128xf32>
    %mul3A_18 = arith.mulf %get3A_17, %mul3A : vector<10000x128xf32>
    %swap3A_19 = arith.constant 0 : index
    %swap3A_20 = arith.constant 0 : index
    %swap3A_21 = vector.load %arg2[%swap3A_19, %swap3A_20] : memref<10000x128xf32, #tpu.memory_space<vmem>>, vector<10000x128xf32>
    tpu.vector_store %arg2[%swap3A_19, %swap3A_20], %mul3A_18 {strides = array<i32>} : memref<10000x128xf32, #tpu.memory_space<vmem>>, vector<10000x128xf32>,
    return
  }
}

module attributes {stable_mosaic.version = 14 : i64} {
  func.func @_conv_body(%arg0: memref<2x10240x128xf32, #tpu.memory_space<vmem>>, %arg1: memref<10000x128xf32, #tpu.memory_space<vmem>>, %arg2: memref<10000x1xf32, #tpu.memory_space<vmem>>, %arg3: memref<1x128xf32, #tpu.memory_space<vmem>>, %arg4: memref<10000x128xf32, #tpu.memory_space<vmem>>) attributes {dimension_semantics = [], scalar_prefetch = 0 : i64, scratch_operands = 0 : i64, tpu.core_type = #tpu.core_type<tc>} {
    %get3A = arith.constant 0 : index
    %get3A_0 = arith.constant 0 : index
    %get3A_1 = arith.constant 0 : index
    %get3A_2 = vector.load %arg0[%get3A, %get3A_0, %get3A_1] : memref<2x10240x128xf32, #tpu.memory_space<vmem>>, vector<1x10240x128xf32>
    %get3A_3 = vector.shape_cast %get3A_2 : vector<1x10240x128xf32> to vector<10240x128xf32>
    %slice3A = vector.extract_strided_slice %get3A_3 {offsets = [0, 0], sizes = [10000, 128], strides = [1, 1]} : vector<10240x128xf32> to vector<10000x128xf32>
    %get3A_4 = arith.constant 1 : index
    %get3A_5 = arith.constant 0 : index
    %get3A_6 = arith.constant 0 : index
    %get3A_7 = vector.load %arg0[%get3A_4, %get3A_5, %get3A_6] : memref<2x10240x128xf32, #tpu.memory_space<vmem>>, vector<1x10240x128xf32>
    %get3A_8 = vector.shape_cast %get3A_7 : vector<1x10240x128xf32> to vector<10240x128xf32>
    %slice3A_9 = vector.extract_strided_slice %get3A_8 {offsets = [0, 0], sizes = [10000, 128], strides = [1, 1]} : vector<10240x128xf32> to vector<10000x128xf32>
    %add3A = arith.addf %slice3A, %slice3A_9 : vector<10000x128xf32>
    %get3A_10 = arith.constant 0 : index
    %get3A_11 = arith.constant 0 : index
    %get3A_12 = vector.load %arg1[%get3A_10, %get3A_11] : memref<10000x128xf32, #tpu.memory_space<vmem>>, vector<10000x128xf32>
    %add3A_13 = arith.addf %add3A, %get3A_12 : vector<10000x128xf32>
    %get3A_14 = arith.constant 0 : index
    %get3A_15 = arith.constant 0 : index
    %get3A_16 = vector.load %arg2[%get3A_14, %get3A_15] : memref<10000x1xf32, #tpu.memory_space<vmem>>, vector<10000x1xf32>
    %mul3A = vector.broadcast %get3A_16 : vector<10000x1xf32> to vector<10000x128xf32>
    %mul3A_17 = arith.mulf %add3A_13, %mul3A : vector<10000x128xf32>
    %get3A_18 = arith.constant 0 : index
    %get3A_19 = arith.constant 0 : index
    %get3A_20 = vector.load %arg3[%get3A_18, %get3A_19] : memref<1x128xf32, #tpu.memory_space<vmem>>, vector<1x128xf32>
    %add3A_21 = vector.broadcast %get3A_20 : vector<1x128xf32> to vector<10000x128xf32>
    %add3A_22 = arith.addf %mul3A_17, %add3A_21 : vector<10000x128xf32>
    %swap3A = arith.constant 0 : index
    %swap3A_23 = arith.constant 0 : index
    %swap3A_24 = vector.load %arg4[%swap3A, %swap3A_23] : memref<10000x128xf32, #tpu.memory_space<vmem>>, vector<10000x128xf32>
    tpu.vector_store %arg4[%swap3A, %swap3A_23], %add3A_22 {strides = array<i32>} : memref<10000x128xf32, #tpu.memory_space<vmem>>, vector<10000x128xf32>,
    return
  }
}

module attributes {stable_mosaic.version = 14 : i64} {
  func.func @_bn1_body(%arg0: memref<10000x128xf32, #tpu.memory_space<vmem>>, %arg1: memref<1x128xf32, #tpu.memory_space<vmem>>, %arg2: memref<1x128xf32, #tpu.memory_space<vmem>>, %arg3: memref<10000x1xf32, #tpu.memory_space<vmem>>, %arg4: memref<128x128xf32, #tpu.memory_space<vmem>>, %arg5: memref<10000x128xf32, #tpu.memory_space<vmem>>, %arg6: memref<10000x128xf32, #tpu.memory_space<vmem>>) attributes {dimension_semantics = [], scalar_prefetch = 0 : i64, scratch_operands = 0 : i64, tpu.core_type = #tpu.core_type<tc>} {
    %get3A = arith.constant 0 : index
    %get3A_0 = arith.constant 0 : index
    %get3A_1 = vector.load %arg0[%get3A, %get3A_0] : memref<10000x128xf32, #tpu.memory_space<vmem>>, vector<10000x128xf32>
    %get3A_2 = arith.constant 0 : index
    %get3A_3 = arith.constant 0 : index
    %get3A_4 = vector.load %arg1[%get3A_2, %get3A_3] : memref<1x128xf32, #tpu.memory_space<vmem>>, vector<1x128xf32>
    %get3A_5 = arith.constant 0 : index
    %get3A_6 = arith.constant 0 : index
    %get3A_7 = vector.load %arg2[%get3A_5, %get3A_6] : memref<1x128xf32, #tpu.memory_space<vmem>>, vector<1x128xf32>
    %reduce_sum3A = arith.constant dense<0.000000e+00> : vector<128xf32>
    %reduce_sum3A_8 = vector.multi_reduction <add>, %get3A_1, %reduce_sum3A [0] : vector<10000x128xf32> to vector<128xf32>
    %broadcast_in_dim3A = vector.shape_cast %reduce_sum3A_8 : vector<128xf32> to vector<1x128xf32>
    %div3A = arith.constant 1.000000e+04 : f32
    %div3A_9 = vector.broadcast %div3A : f32 to vector<1x128xf32>
    %div3A_10 = arith.divf %broadcast_in_dim3A, %div3A_9 : vector<1x128xf32>
    %sub3A = vector.broadcast %div3A_10 : vector<1x128xf32> to vector<10000x128xf32>
    %sub3A_11 = arith.subf %get3A_1, %sub3A : vector<10000x128xf32>
    %mul3A = arith.mulf %sub3A_11, %sub3A_11 : vector<10000x128xf32>
    %reduce_sum3A_12 = arith.constant dense<0.000000e+00> : vector<128xf32>
    %reduce_sum3A_13 = vector.multi_reduction <add>, %mul3A, %reduce_sum3A_12 [0] : vector<10000x128xf32> to vector<128xf32>
    %broadcast_in_dim3A_14 = vector.shape_cast %reduce_sum3A_13 : vector<128xf32> to vector<1x128xf32>
    %div3A_15 = arith.constant 1.000000e+04 : f32
    %div3A_16 = vector.broadcast %div3A_15 : f32 to vector<1x128xf32>
    %div3A_17 = arith.divf %broadcast_in_dim3A_14, %div3A_16 : vector<1x128xf32>
    %add3A = arith.constant 9.99999974E-6 : f32
    %add3A_18 = vector.broadcast %add3A : f32 to vector<1x128xf32>
    %add3A_19 = arith.addf %div3A_17, %add3A_18 : vector<1x128xf32>
    %rsqrt3A = math.rsqrt %add3A_19 : vector<1x128xf32>
    %mul3A_20 = vector.broadcast %rsqrt3A : vector<1x128xf32> to vector<10000x128xf32>
    %mul3A_21 = arith.mulf %sub3A_11, %mul3A_20 : vector<10000x128xf32>
    %mul3A_22 = vector.broadcast %get3A_4 : vector<1x128xf32> to vector<10000x128xf32>
    %mul3A_23 = arith.mulf %mul3A_21, %mul3A_22 : vector<10000x128xf32>
    %add3A_24 = vector.broadcast %get3A_7 : vector<1x128xf32> to vector<10000x128xf32>
    %add3A_25 = arith.addf %mul3A_23, %add3A_24 : vector<10000x128xf32>
    %max3A = arith.constant 0.000000e+00 : f32
    %max3A_26 = vector.broadcast %max3A : f32 to vector<10000x128xf32>
    %max3A_27 = arith.maximumf %add3A_25, %max3A_26 : vector<10000x128xf32>
    %swap3A = arith.constant 0 : index
    %swap3A_28 = arith.constant 0 : index
    %swap3A_29 = vector.load %arg5[%swap3A, %swap3A_28] : memref<10000x128xf32, #tpu.memory_space<vmem>>, vector<10000x128xf32>
    tpu.vector_store %arg5[%swap3A, %swap3A_28], %max3A_27 {strides = array<i32>} : memref<10000x128xf32, #tpu.memory_space<vmem>>, vector<10000x128xf32>,
    %get3A_30 = arith.constant 0 : index
    %get3A_31 = arith.constant 0 : index
    %get3A_32 = vector.load %arg4[%get3A_30, %get3A_31] : memref<128x128xf32, #tpu.memory_space<vmem>>, vector<128x128xf32>
    %dot_general3A = arith.constant dense<0.000000e+00> : vector<10000x128xf32>
    %dot_general3A_33 = tpu.matmul %max3A_27, %get3A_32, %dot_general3A {dimension_numbers = #tpu.dot_dimension_numbers<[1], [0], [0], [1], [0, 0, 1, 1], [], []>, precision = #tpu.contract_precision<fp32>, transpose_lhs_hint = false} : vector<10000x128xf32>, vector<128x128xf32>, vector<10000x128xf32> -> vector<10000x128xf32>
    %get3A_34 = arith.constant 0 : index
    %get3A_35 = arith.constant 0 : index
    %get3A_36 = vector.load %arg3[%get3A_34, %get3A_35] : memref<10000x1xf32, #tpu.memory_space<vmem>>, vector<10000x1xf32>
    %mul3A_37 = vector.broadcast %get3A_36 : vector<10000x1xf32> to vector<10000x128xf32>
    %mul3A_38 = arith.mulf %dot_general3A_33, %mul3A_37 : vector<10000x128xf32>
    %swap3A_39 = arith.constant 0 : index
    %swap3A_40 = arith.constant 0 : index
    %swap3A_41 = vector.load %arg6[%swap3A_39, %swap3A_40] : memref<10000x128xf32, #tpu.memory_space<vmem>>, vector<10000x128xf32>
    tpu.vector_store %arg6[%swap3A_39, %swap3A_40], %mul3A_38 {strides = array<i32>} : memref<10000x128xf32, #tpu.memory_space<vmem>>, vector<10000x128xf32>,
    return
  }
}

module attributes {stable_mosaic.version = 14 : i64} {
  func.func @_bn2_body(%arg0: memref<10000x128xf32, #tpu.memory_space<vmem>>, %arg1: memref<1x128xf32, #tpu.memory_space<vmem>>, %arg2: memref<1x128xf32, #tpu.memory_space<vmem>>, %arg3: memref<10000x128xf32, #tpu.memory_space<vmem>>, %arg4: memref<10000x1xf32, #tpu.memory_space<vmem>>, %arg5: memref<128x128xf32, #tpu.memory_space<vmem>>, %arg6: memref<10000x128xf32, #tpu.memory_space<vmem>>, %arg7: memref<10000x128xf32, #tpu.memory_space<vmem>>) attributes {dimension_semantics = [], scalar_prefetch = 0 : i64, scratch_operands = 0 : i64, tpu.core_type = #tpu.core_type<tc>} {
    %get3A = arith.constant 0 : index
    %get3A_0 = arith.constant 0 : index
    %get3A_1 = vector.load %arg0[%get3A, %get3A_0] : memref<10000x128xf32, #tpu.memory_space<vmem>>, vector<10000x128xf32>
    %get3A_2 = arith.constant 0 : index
    %get3A_3 = arith.constant 0 : index
    %get3A_4 = vector.load %arg1[%get3A_2, %get3A_3] : memref<1x128xf32, #tpu.memory_space<vmem>>, vector<1x128xf32>
    %get3A_5 = arith.constant 0 : index
    %get3A_6 = arith.constant 0 : index
    %get3A_7 = vector.load %arg2[%get3A_5, %get3A_6] : memref<1x128xf32, #tpu.memory_space<vmem>>, vector<1x128xf32>
    %reduce_sum3A = arith.constant dense<0.000000e+00> : vector<128xf32>
    %reduce_sum3A_8 = vector.multi_reduction <add>, %get3A_1, %reduce_sum3A [0] : vector<10000x128xf32> to vector<128xf32>
    %broadcast_in_dim3A = vector.shape_cast %reduce_sum3A_8 : vector<128xf32> to vector<1x128xf32>
    %div3A = arith.constant 1.000000e+04 : f32
    %div3A_9 = vector.broadcast %div3A : f32 to vector<1x128xf32>
    %div3A_10 = arith.divf %broadcast_in_dim3A, %div3A_9 : vector<1x128xf32>
    %sub3A = vector.broadcast %div3A_10 : vector<1x128xf32> to vector<10000x128xf32>
    %sub3A_11 = arith.subf %get3A_1, %sub3A : vector<10000x128xf32>
    %mul3A = arith.mulf %sub3A_11, %sub3A_11 : vector<10000x128xf32>
    %reduce_sum3A_12 = arith.constant dense<0.000000e+00> : vector<128xf32>
    %reduce_sum3A_13 = vector.multi_reduction <add>, %mul3A, %reduce_sum3A_12 [0] : vector<10000x128xf32> to vector<128xf32>
    %broadcast_in_dim3A_14 = vector.shape_cast %reduce_sum3A_13 : vector<128xf32> to vector<1x128xf32>
    %div3A_15 = arith.constant 1.000000e+04 : f32
    %div3A_16 = vector.broadcast %div3A_15 : f32 to vector<1x128xf32>
    %div3A_17 = arith.divf %broadcast_in_dim3A_14, %div3A_16 : vector<1x128xf32>
    %add3A = arith.constant 9.99999974E-6 : f32
    %add3A_18 = vector.broadcast %add3A : f32 to vector<1x128xf32>
    %add3A_19 = arith.addf %div3A_17, %add3A_18 : vector<1x128xf32>
    %rsqrt3A = math.rsqrt %add3A_19 : vector<1x128xf32>
    %mul3A_20 = vector.broadcast %rsqrt3A : vector<1x128xf32> to vector<10000x128xf32>
    %mul3A_21 = arith.mulf %sub3A_11, %mul3A_20 : vector<10000x128xf32>
    %mul3A_22 = vector.broadcast %get3A_4 : vector<1x128xf32> to vector<10000x128xf32>
    %mul3A_23 = arith.mulf %mul3A_21, %mul3A_22 : vector<10000x128xf32>
    %add3A_24 = vector.broadcast %get3A_7 : vector<1x128xf32> to vector<10000x128xf32>
    %add3A_25 = arith.addf %mul3A_23, %add3A_24 : vector<10000x128xf32>
    %max3A = arith.constant 0.000000e+00 : f32
    %max3A_26 = vector.broadcast %max3A : f32 to vector<10000x128xf32>
    %max3A_27 = arith.maximumf %add3A_25, %max3A_26 : vector<10000x128xf32>
    %get3A_28 = arith.constant 0 : index
    %get3A_29 = arith.constant 0 : index
    %get3A_30 = vector.load %arg3[%get3A_28, %get3A_29] : memref<10000x128xf32, #tpu.memory_space<vmem>>, vector<10000x128xf32>
    %add3A_31 = arith.addf %max3A_27, %get3A_30 : vector<10000x128xf32>
    %swap3A = arith.constant 0 : index
    %swap3A_32 = arith.constant 0 : index
    %swap3A_33 = vector.load %arg6[%swap3A, %swap3A_32] : memref<10000x128xf32, #tpu.memory_space<vmem>>, vector<10000x128xf32>
    tpu.vector_store %arg6[%swap3A, %swap3A_32], %add3A_31 {strides = array<i32>} : memref<10000x128xf32, #tpu.memory_space<vmem>>, vector<10000x128xf32>,
    %get3A_34 = arith.constant 0 : index
    %get3A_35 = arith.constant 0 : index
    %get3A_36 = vector.load %arg5[%get3A_34, %get3A_35] : memref<128x128xf32, #tpu.memory_space<vmem>>, vector<128x128xf32>
    %dot_general3A = arith.constant dense<0.000000e+00> : vector<10000x128xf32>
    %dot_general3A_37 = tpu.matmul %add3A_31, %get3A_36, %dot_general3A {dimension_numbers = #tpu.dot_dimension_numbers<[1], [0], [0], [1], [0, 0, 1, 1], [], []>, precision = #tpu.contract_precision<fp32>, transpose_lhs_hint = false} : vector<10000x128xf32>, vector<128x128xf32>, vector<10000x128xf32> -> vector<10000x128xf32>
    %get3A_38 = arith.constant 0 : index
    %get3A_39 = arith.constant 0 : index
    %get3A_40 = vector.load %arg4[%get3A_38, %get3A_39] : memref<10000x1xf32, #tpu.memory_space<vmem>>, vector<10000x1xf32>
    %mul3A_41 = vector.broadcast %get3A_40 : vector<10000x1xf32> to vector<10000x128xf32>
    %mul3A_42 = arith.mulf %dot_general3A_37, %mul3A_41 : vector<10000x128xf32>
    %swap3A_43 = arith.constant 0 : index
    %swap3A_44 = arith.constant 0 : index
    %swap3A_45 = vector.load %arg7[%swap3A_43, %swap3A_44] : memref<10000x128xf32, #tpu.memory_space<vmem>>, vector<10000x128xf32>
    tpu.vector_store %arg7[%swap3A_43, %swap3A_44], %mul3A_42 {strides = array<i32>} : memref<10000x128xf32, #tpu.memory_space<vmem>>, vector<10000x128xf32>,
    return
  }
}

module attributes {stable_mosaic.version = 14 : i64} {
  func.func @_bn3_body(%arg0: memref<10000x128xf32, #tpu.memory_space<vmem>>, %arg1: memref<1x128xf32, #tpu.memory_space<vmem>>, %arg2: memref<1x128xf32, #tpu.memory_space<vmem>>, %arg3: memref<10000x128xf32, #tpu.memory_space<vmem>>, %arg4: memref<10000x128xf32, #tpu.memory_space<vmem>>) attributes {dimension_semantics = [], scalar_prefetch = 0 : i64, scratch_operands = 0 : i64, tpu.core_type = #tpu.core_type<tc>} {
    %get3A = arith.constant 0 : index
    %get3A_0 = arith.constant 0 : index
    %get3A_1 = vector.load %arg0[%get3A, %get3A_0] : memref<10000x128xf32, #tpu.memory_space<vmem>>, vector<10000x128xf32>
    %get3A_2 = arith.constant 0 : index
    %get3A_3 = arith.constant 0 : index
    %get3A_4 = vector.load %arg1[%get3A_2, %get3A_3] : memref<1x128xf32, #tpu.memory_space<vmem>>, vector<1x128xf32>
    %get3A_5 = arith.constant 0 : index
    %get3A_6 = arith.constant 0 : index
    %get3A_7 = vector.load %arg2[%get3A_5, %get3A_6] : memref<1x128xf32, #tpu.memory_space<vmem>>, vector<1x128xf32>
    %reduce_sum3A = arith.constant dense<0.000000e+00> : vector<128xf32>
    %reduce_sum3A_8 = vector.multi_reduction <add>, %get3A_1, %reduce_sum3A [0] : vector<10000x128xf32> to vector<128xf32>
    %broadcast_in_dim3A = vector.shape_cast %reduce_sum3A_8 : vector<128xf32> to vector<1x128xf32>
    %div3A = arith.constant 1.000000e+04 : f32
    %div3A_9 = vector.broadcast %div3A : f32 to vector<1x128xf32>
    %div3A_10 = arith.divf %broadcast_in_dim3A, %div3A_9 : vector<1x128xf32>
    %sub3A = vector.broadcast %div3A_10 : vector<1x128xf32> to vector<10000x128xf32>
    %sub3A_11 = arith.subf %get3A_1, %sub3A : vector<10000x128xf32>
    %mul3A = arith.mulf %sub3A_11, %sub3A_11 : vector<10000x128xf32>
    %reduce_sum3A_12 = arith.constant dense<0.000000e+00> : vector<128xf32>
    %reduce_sum3A_13 = vector.multi_reduction <add>, %mul3A, %reduce_sum3A_12 [0] : vector<10000x128xf32> to vector<128xf32>
    %broadcast_in_dim3A_14 = vector.shape_cast %reduce_sum3A_13 : vector<128xf32> to vector<1x128xf32>
    %div3A_15 = arith.constant 1.000000e+04 : f32
    %div3A_16 = vector.broadcast %div3A_15 : f32 to vector<1x128xf32>
    %div3A_17 = arith.divf %broadcast_in_dim3A_14, %div3A_16 : vector<1x128xf32>
    %add3A = arith.constant 9.99999974E-6 : f32
    %add3A_18 = vector.broadcast %add3A : f32 to vector<1x128xf32>
    %add3A_19 = arith.addf %div3A_17, %add3A_18 : vector<1x128xf32>
    %rsqrt3A = math.rsqrt %add3A_19 : vector<1x128xf32>
    %mul3A_20 = vector.broadcast %rsqrt3A : vector<1x128xf32> to vector<10000x128xf32>
    %mul3A_21 = arith.mulf %sub3A_11, %mul3A_20 : vector<10000x128xf32>
    %mul3A_22 = vector.broadcast %get3A_4 : vector<1x128xf32> to vector<10000x128xf32>
    %mul3A_23 = arith.mulf %mul3A_21, %mul3A_22 : vector<10000x128xf32>
    %add3A_24 = vector.broadcast %get3A_7 : vector<1x128xf32> to vector<10000x128xf32>
    %add3A_25 = arith.addf %mul3A_23, %add3A_24 : vector<10000x128xf32>
    %max3A = arith.constant 0.000000e+00 : f32
    %max3A_26 = vector.broadcast %max3A : f32 to vector<10000x128xf32>
    %max3A_27 = arith.maximumf %add3A_25, %max3A_26 : vector<10000x128xf32>
    %get3A_28 = arith.constant 0 : index
    %get3A_29 = arith.constant 0 : index
    %get3A_30 = vector.load %arg3[%get3A_28, %get3A_29] : memref<10000x128xf32, #tpu.memory_space<vmem>>, vector<10000x128xf32>
    %add3A_31 = arith.addf %max3A_27, %get3A_30 : vector<10000x128xf32>
    %swap3A = arith.constant 0 : index
    %swap3A_32 = arith.constant 0 : index
    %swap3A_33 = vector.load %arg4[%swap3A, %swap3A_32] : memref<10000x128xf32, #tpu.memory_space<vmem>>, vector<10000x128xf32>
    tpu.vector_store %arg4[%swap3A, %swap3A_32], %add3A_31 {strides = array<i32>} : memref<10000x128xf32, #tpu.memory_space<vmem>>, vector<10000x128xf32>,
    return
  }
}

module attributes {stable_mosaic.version = 14 : i64} {
  func.func @_final_body(%arg0: memref<10000x128xf32, #tpu.memory_space<vmem>>, %arg1: memref<1x10000xi32, #tpu.memory_space<vmem>>, %arg2: memref<128x128xf32, #tpu.memory_space<vmem>>, %arg3: memref<128x128xf32, #tpu.memory_space<vmem>>, %arg4: memref<1x128xf32, #tpu.memory_space<vmem>>, %arg5: memref<128x1xf32, #tpu.memory_space<vmem>>, %arg6: memref<1x1xf32, #tpu.memory_space<vmem>>, %arg7: memref<128x1xf32, #tpu.memory_space<vmem>>) attributes {dimension_semantics = [], scalar_prefetch = 0 : i64, scratch_operands = 0 : i64, tpu.core_type = #tpu.core_type<tc>} {
    %get3A = arith.constant 0 : index
    %get3A_0 = arith.constant 0 : index
    %get3A_1 = vector.load %arg0[%get3A, %get3A_0] : memref<10000x128xf32, #tpu.memory_space<vmem>>, vector<10000x128xf32>
    %iota3A = tpu.iota {dimensions = array<i32: 0>} : vector<128x10000xi32>
    %get3A_2 = arith.constant 0 : index
    %get3A_3 = arith.constant 0 : index
    %get3A_4 = vector.load %arg1[%get3A_2, %get3A_3] : memref<1x10000xi32, #tpu.memory_space<vmem>>, vector<1x10000xi32>
    %eq3A = vector.broadcast %get3A_4 : vector<1x10000xi32> to vector<128x10000xi32>
    %eq3A_5 = arith.cmpi eq, %iota3A, %eq3A : vector<128x10000xi32>
    %convert_element_type3A = arith.extui %eq3A_5 : vector<128x10000xi1> to vector<128x10000xi32>
    %convert_element_type3A_6 = arith.sitofp %convert_element_type3A : vector<128x10000xi32> to vector<128x10000xf32>
    %dot_general3A = arith.constant dense<0.000000e+00> : vector<128x128xf32>
    %dot_general3A_7 = tpu.matmul %convert_element_type3A_6, %get3A_1, %dot_general3A {dimension_numbers = #tpu.dot_dimension_numbers<[1], [0], [0], [1], [0, 0, 1, 1], [], []>, precision = #tpu.contract_precision<fp32>, transpose_lhs_hint = false} : vector<128x10000xf32>, vector<10000x128xf32>, vector<128x128xf32> -> vector<128x128xf32>
    %reduce_sum3A = arith.constant dense<0.000000e+00> : vector<128xf32>
    %reduce_sum3A_8 = vector.multi_reduction <add>, %convert_element_type3A_6, %reduce_sum3A [1] : vector<128x10000xf32> to vector<128xf32>
    %broadcast_in_dim3A = vector.shape_cast %reduce_sum3A_8 : vector<128xf32> to vector<128x1xf32>
    %max3A = arith.constant 1.000000e+00 : f32
    %max3A_9 = vector.broadcast %max3A : f32 to vector<128x1xf32>
    %max3A_10 = arith.maximumf %broadcast_in_dim3A, %max3A_9 : vector<128x1xf32>
    %div3A = vector.broadcast %max3A_10 : vector<128x1xf32> to vector<128x128xf32>
    %div3A_11 = arith.divf %dot_general3A_7, %div3A : vector<128x128xf32>
    %get3A_12 = arith.constant 0 : index
    %get3A_13 = arith.constant 0 : index
    %get3A_14 = vector.load %arg2[%get3A_12, %get3A_13] : memref<128x128xf32, #tpu.memory_space<vmem>>, vector<128x128xf32>
    %dot_general3A_15 = arith.constant dense<0.000000e+00> : vector<128x128xf32>
    %dot_general3A_16 = tpu.matmul %dot_general3A_7, %get3A_14, %dot_general3A_15 {dimension_numbers = #tpu.dot_dimension_numbers<[1], [0], [0], [1], [0, 0, 1, 1], [], []>, precision = #tpu.contract_precision<fp32>, transpose_lhs_hint = false} : vector<128x128xf32>, vector<128x128xf32>, vector<128x128xf32> -> vector<128x128xf32>
    %get3A_17 = arith.constant 0 : index
    %get3A_18 = arith.constant 0 : index
    %get3A_19 = vector.load %arg3[%get3A_17, %get3A_18] : memref<128x128xf32, #tpu.memory_space<vmem>>, vector<128x128xf32>
    %dot_general3A_20 = arith.constant dense<0.000000e+00> : vector<128x128xf32>
    %dot_general3A_21 = tpu.matmul %div3A_11, %get3A_19, %dot_general3A_20 {dimension_numbers = #tpu.dot_dimension_numbers<[1], [0], [0], [1], [0, 0, 1, 1], [], []>, precision = #tpu.contract_precision<fp32>, transpose_lhs_hint = false} : vector<128x128xf32>, vector<128x128xf32>, vector<128x128xf32> -> vector<128x128xf32>
    %add3A = arith.addf %dot_general3A_16, %dot_general3A_21 : vector<128x128xf32>
    %get3A_22 = arith.constant 0 : index
    %get3A_23 = arith.constant 0 : index
    %get3A_24 = vector.load %arg4[%get3A_22, %get3A_23] : memref<1x128xf32, #tpu.memory_space<vmem>>, vector<1x128xf32>
    %add3A_25 = vector.broadcast %get3A_24 : vector<1x128xf32> to vector<128x128xf32>
    %add3A_26 = arith.addf %add3A, %add3A_25 : vector<128x128xf32>
    %max3A_27 = arith.constant 0.000000e+00 : f32
    %max3A_28 = vector.broadcast %max3A_27 : f32 to vector<128x128xf32>
    %max3A_29 = arith.maximumf %add3A_26, %max3A_28 : vector<128x128xf32>
    %get3A_30 = arith.constant 0 : index
    %get3A_31 = arith.constant 0 : index
    %get3A_32 = vector.load %arg5[%get3A_30, %get3A_31] : memref<128x1xf32, #tpu.memory_space<vmem>>, vector<128x1xf32>
    %dot_general3A_33 = arith.constant dense<0.000000e+00> : vector<128x1xf32>
    %dot_general3A_34 = tpu.matmul %max3A_29, %get3A_32, %dot_general3A_33 {dimension_numbers = #tpu.dot_dimension_numbers<[1], [0], [0], [1], [0, 0, 1, 1], [], []>, precision = #tpu.contract_precision<fp32>, transpose_lhs_hint = false} : vector<128x128xf32>, vector<128x1xf32>, vector<128x1xf32> -> vector<128x1xf32>
    %get3A_35 = arith.constant 0 : index
    %get3A_36 = arith.constant 0 : index
    %get3A_37 = vector.load %arg6[%get3A_35, %get3A_36] : memref<1x1xf32, #tpu.memory_space<vmem>>, vector<1x1xf32>
    %add3A_38 = vector.broadcast %get3A_37 : vector<1x1xf32> to vector<128x1xf32>
    %add3A_39 = arith.addf %dot_general3A_34, %add3A_38 : vector<128x1xf32>
    %swap3A = arith.constant 0 : index
    %swap3A_40 = arith.constant 0 : index
    %swap3A_41 = vector.load %arg7[%swap3A, %swap3A_40] : memref<128x1xf32, #tpu.memory_space<vmem>>, vector<128x1xf32>
    tpu.vector_store %arg7[%swap3A, %swap3A_40], %add3A_39 {strides = array<i32>} : memref<128x1xf32, #tpu.memory_space<vmem>>, vector<128x1xf32>,
    return
  }
}

</mosaic_0001>

<sc_bundles>
// kernel: kernel.15.cloned.1.call-start
scs
__scs_entry_jumppad:
0x0: {  	(pc) =	sbr.rel $0x88, $3  }
0x1: {  	(tag) =	ssettag $0x0;
	lr =	simm.s32 $0x1  }
0x2: {  	[smem:$0x3F8E] =	sst lr;
	_ =	strace $0xD0000000  }
0x3: {  	_ = 	snop  }
0x4: {  	_ = 	snop  }
0x5: {  	_ = 	snop  }
0x6: {  	_ = 	snop  }
0x7: {  	_ = 	snop  }
__scs_overlays_trampoline_lowered:
0x8: {  	[smem:$0x3F9D] =	sst s0  }
0x9: {  	[smem:$0x3F9E] =	sst s1  }
0xa: {  	[smem:$0x3F9F] =	sst s2  }
0xb: {  	[smem:$0x3FA0] =	sst s3  }
0xc: {  	[smem:$0x3FA1] =	sst s4  }
0xd: {  	[smem:$0x3FA2] =	sst s5  }
0xe: {  	[smem:$0x3FA3] =	sst s6  }
0xf: {  	[smem:$0x3FA4] =	sst s7  }
0x10: {  	[smem:$0x3FA5] =	sst s8  }
0x11: {  	[smem:$0x3FA6] =	sst s9;
	s0 =	simm.s32 @!p0 $0x0  }
0x12: {  	s1 =	sld [smem:$0x3F8C];
	s0 =	simm.s32 @p0 $0x1  }
0x13: {  	[smem:$0x3FA7] =	sst s0;
	s0 =	simm.s32 @!p1 $0x0  }
0x14: {  	s2 =	sld [smem:$0x3F8B];
	s0 =	simm.s32 @p1 $0x1  }
0x15: {  	[smem:$0x3FA8] =	sst s0;
	s0 =	simm.s32 @!p2 $0x0  }
0x16: {  	s3 =	sld [smem:$0x3FDB];
	s0 =	simm.s32 @p2 $0x1  }
0x17: {  	s4 =	simm.s32 $0x1BF5;
	[smem:$0x3FAA] =	sst s0  }
0x18: {  	s0 =	sld [smem:$0x3F8D];
	_ =	swait.ge [sflag:s4], $0x0  }
0x19: {  	s7 =	sld [smem:$0x3F8E]  }
0x1a: {  	s8 =	sadd.s32 $0xFFFFE003, lr  }
0x1b: {  	s9 =	sadd.s32 $0xFFFFFEF7, lr;
	s5 =	simm.s32 $0xFFFFFFFF;
	p2 =	slt.u32 s8, $0xFFFFF086  }
0x1c: {  	p1 =	slt.u32 s9, $0xF7A;
	s5 =	simm.s32 @!p2 $0x0  }
0x1d: {  	s5 =	simm.s32 @p1 $0x1;
	p0 =	seq.s32 s7, s2  }
0x1e: {  	s7 =	smul.u32 @!p0 $0xF7A, s2;
	p2 =	seq.s32 @!p0 s5, $0x0  }
0x1f: {  	s9 =	smul.u32 $0xF7A, s1;
	s8 =	simm.s32 @!p0 $0x1BF5;
	p2 =	por !p2, p0  }
0x20: {  	[sflag:s8] =	ssyncset.s32 @!p0 $0xFFFFF086;
	s6 =	sadd.s32 @!p0 s3, s7;
	s7 =	simm.s32 @!p0 $0x108  }
0x21: {  	s3 =	sadd.s32 s3, s9;
	s6 =	sadd.s32 @!p0 $0x88, s6;
	s7 =	simm.s32 @p2 $0x1082  }
0x22: {  	[simem:s7], [sflag:s8] =	dma.local @!p0 [hbm:s6], $0xF7A  }
0x23: {  	s9 =	sor.u32 $0xD0000000, s2;
	s6 =	simm.s32 $0x108;
	_ =	swait.ge @!p0 [sflag:s8], $0x0  }
0x24: {  	s3 =	sadd.s32 $0x88, s3;
	s6 =	simm.s32 @!p1 $0x1082;
	[sflag:s4] =	ssyncset.s32 $0xFFFFF086  }
0x25: {  	[simem:s6], [sflag:s4] =	dma.local [hbm:s3], $0xF7A  }
0x26: {  	[smem:$0x3F8E] =	sst s1;
	(tag) =	ssettag s2;
	_ =	strace s9  }
0x27: {  	s1 =	sld [smem:$0x3F9E]  }
0x28: {  	s2 =	sld [smem:$0x3F9F]  }
0x29: {  	s4 =	sld [smem:$0x3FA1]  }
0x2a: {  	p0 =	seq.s32 s5, $0x0;
	s5 =	sld [smem:$0x3FA2]  }
0x2b: {  	s6 =	sld [smem:$0x3FA3]  }
0x2c: {  	s7 =	sld [smem:$0x3FA4]  }
0x2d: {  	s3 =	simm.s32 $0x108;
	s8 =	sld [smem:$0x3FA5]  }
0x2e: {  	s3 =	simm.s32 @!p0 $0x1082;
	s9 =	sld [smem:$0x3FA6]  }
0x2f: {  	lr =	sadd.s32 s0, s3;
	s0 =	sld [smem:$0x3F9D]  }
0x30: {  	s3 =	sld [smem:$0x3FA0]  }
0x31: {  	[smem:$0x3FA9] =	sst s10  }
0x32: {  	s10 =	sld [smem:$0x3FA7];
	_ =	sdelay $0x3  }
0x33: {  	p0 =	seq.s32 s10, $0x1;
	s10 =	sld [smem:$0x3FA9];
	_ =	sdelay $0x3  }
0x34: {  	[smem:$0x3FA9] =	sst s10  }
0x35: {  	s10 =	sld [smem:$0x3FA8];
	_ =	sdelay $0x3  }
0x36: {  	p1 =	seq.s32 s10, $0x1;
	s10 =	sld [smem:$0x3FA9];
	_ =	sdelay $0x3  }
0x37: {  	[smem:$0x3FA9] =	sst s10  }
0x38: {  	s10 =	sld [smem:$0x3FAA]  }
0x39: {  	_ = 	snop;
	(pc) =	sbr.ind lr, $3  }
0x3a: {  	_ = 	snop  }
0x3b: {  	_ = 	snop  }
0x3c: {  	p2 =	seq.s32 s10, $0x1;
	s10 =	sld [smem:$0x3FA9]  }
0x3d: {  	_ =	shalt  }
0x3e: {  	_ =	shalt  }
0x3f: {  	_ =	shalt  }
0x40: {  	_ =	shalt  }
0x41: {  	_ =	shalt  }
0x42: {  	_ =	shalt  }
0x43: {  	_ =	shalt  }
0x44: {  	_ =	shalt  }
0x45: {  	_ =	shalt  }
0x46: {  	_ =	shalt  }
0x47: {  	_ =	shalt  }
0x48: {  	_ =	shalt  }
0x49: {  	_ =	shalt  }
0x4a: {  	_ =	shalt  }
0x4b: {  	_ =	shalt  }
0x4c: {  	_ =	shalt  }
0x4d: {  	_ =	shalt  }
0x4e: {  	_ =	shalt  }
0x4f: {  	_ =	shalt  }
0x50: {  	_ =	shalt  }
0x51: {  	_ =	shalt  }
0x52: {  	_ =	shalt  }
0x53: {  	_ =	shalt  }
0x54: {  	_ =	shalt  }
0x55: {  	_ =	shalt  }
0x56: {  	_ =	shalt  }
0x57: {  	_ =	shalt  }
0x58: {  	_ =	shalt  }
0x59: {  	_ =	shalt  }
0x5a: {  	_ =	shalt  }
0x5b: {  	_ =	shalt  }
0x5c: {  	_ =	shalt  }
0x5d: {  	_ =	shalt  }
0x5e: {  	_ =	shalt  }
0x5f: {  	_ =	shalt  }
0x60: {  	_ =	shalt  }
0x61: {  	_ =	shalt  }
0x62: {  	_ =	shalt  }
0x63: {  	_ =	shalt  }
0x64: {  	_ =	shalt  }
0x65: {  	_ =	shalt  }
0x66: {  	_ =	shalt  }
0x67: {  	_ =	shalt  }
0x68: {  	_ =	shalt  }
0x69: {  	_ =	shalt  }
0x6a: {  	_ =	shalt  }
0x6b: {  	_ =	shalt  }
0x6c: {  	_ =	shalt  }
0x6d: {  	_ =	shalt  }
0x6e: {  	_ =	shalt  }
0x6f: {  	_ =	shalt  }
0x70: {  	_ =	shalt  }
0x71: {  	_ =	shalt  }
0x72: {  	_ =	shalt  }
0x73: {  	_ =	shalt  }
0x74: {  	_ =	shalt  }
0x75: {  	_ =	shalt  }
0x76: {  	_ =	shalt  }
0x77: {  	_ =	shalt  }
0x78: {  	_ =	shalt  }
0x79: {  	_ =	shalt  }
0x7a: {  	_ =	shalt  }
0x7b: {  	_ =	shalt  }
0x7c: {  	_ =	shalt  }
0x7d: {  	_ =	shalt  }
0x7e: {  	_ =	shalt  }
0x7f: {  	_ =	shalt  }
0x80: {  	_ =	shalt  }
0x81: {  	_ =	shalt  }
0x82: {  	_ =	shalt  }
0x83: {  	_ =	shalt  }
0x84: {  	_ =	shalt  }
0x85: {  	_ =	shalt  }
0x86: {  	_ =	shalt  }
0x87: {  	_ =	shalt  }
.Lfunc_end0:
.L_simem_size_0:
called_computation_lowered:
.L_overlay_start_0:
0x88: {  	s2 =	sld [smem:$0x3FD9]  }
0x89: {  	s3 =	sld [smem:$0x3FFE];
	_ =	sdelay $0x1  }
0x8a: {  	s1 =	srdreg.scid  }
0x8b: {  	s0 =	sand.u32 $0x1, s1  }
0x8c: {  	s16 =	sshll.u32 s0, $0xA;
	s2 =	sadd.s32 s3, s2  }
0x8d: {  	s2 =	sadd.s32 s2, s16  }
0x8e: {  	[smem:$0x3FB5] =	sst s2  }
0x8f: {  	_ = 	snop  }
0x90: {  	(tm) =	ssettm $0x1  }
0x91: {  	s17 =	sld [smem:$0x3FFB];
	_ =	sdelay $0x3  }
0x92: {  	_ =	strace s17  }
0x93: {  	s2 =	sld [smem:$0x3FFC];
	_ =	sdelay $0x3  }
0x94: {  	_ =	strace s2  }
0x95: {  	s2 =	sld [smem:$0x3FFD];
	_ =	sdelay $0x3  }
0x96: {  	_ =	strace s2  }
0x97: {  	_ =	strace $0x8FFFFFFF  }
0x98: {  	s18 =	sld [smem:$0x3FDB];
	_ =	sdelay $0x1  }
0x99: {  	s19 =	simm.s32 $_scs_section_size  }
0x9a: {  	s4 =	simm.s32 $_size__tile_overlayer_lowered;
	s5 =	simm.s32 $_tile_overlayer_lowered  }
0x9b: {  	s22 =	simm.s32 $0x1BFF;
	s21 =	sshll.u32 s5, $0x1;
	s2 =	sadd.s32 s19, s18  }
0x9c: {  	s6 =	simm.s32 $0x0;
	s20 =	sshll.u32 s4, $0x1;
	s4 =	sadd.s32 s21, s2  }
0x9d: {  	[timem:s6], [sflag:s22] =	dma.local [hbm:s4], s20  }
0x9e: {  	_ =	swait.ge [sflag:s22], s20  }
0x9f: {  	s3 =	ssub.s32 $0x0, s20;
	[sflag:s22] =	ssyncset.done $0x0  }
0xa0: {  	[sflag:s22] =	ssyncadd.s32 s3;
	_ =	sdelay $0x1  }
0xa1: {  	s23 =	simm.s32 $0x1B8B  }
0xa2: {  	_ =	swait.ge [sflag:s23], $0x1  }
0xa3: {  	[sflag:s23] =	ssyncset.done $0x0  }
0xa4: {  	s25 =	simm.s32 $0x1B8E;
	s24 =	sld [smem:$0x3FFE];
	[sflag:s23] =	ssyncadd.s32 $0xFFFFFFFF  }
0xa5: {  	s26 =	simm.s32 $execute0_lowered;
	[smem:$0x3FD2] =	sst s25  }
0xa6: {  	s4 =	sshll.u32 s26, $0x1;
	_ =	strace $0x80000046;
	[dreg:$0x1] =	wrdreg $0xFFFFFFFF  }
0xa7: {  	s28 =	simm.s32 $_size_execute0_lowered;
	s2 =	sadd.s32 s2, s4;
	[dreg:$0x0] =	wrdreg $0x0  }
0xa8: {  	s4 =	sshll.u32 s28, $0x1;
	[dreg:$0x2] =	wrdreg s2  }
0xa9: {  	[dreg:$0x3] =	wrdreg s4  }
0xaa: {  	[dreg:$0x4] =	wrdreg $0xC0  }
0xab: {  	_ =	task [dreg:s6], $0x5FFFF  }
0xac: {  	[dreg:$0x1] =	wrdreg $0xFFFFFFFF  }
0xad: {  	[dreg:$0x0] =	wrdreg $0x60  }
0xae: {  	[dreg:$0x2] =	wrdreg s24  }
0xaf: {  	[dreg:$0x3] =	wrdreg $0x68000  }
0xb0: {  	[dreg:$0x4] =	wrdreg $0x9  }
0xb1: {  	_ =	task.clear_ibuf [dreg:s6], $0x5FFFF;
	_ =	strace $0x90000046  }
0xb2: {  	s29 =	simm.s32 $0x9;
	_ =	strace $0x80000048  }
0xb3: {  	_ =	swait.ge [sflag:s29], $0x1  }
0xb4: {  	[sflag:s29] =	ssyncadd.s32 $0xFFFFFFFF  }
0xb5: {  	_ =	strace $0x90000048  }
0xb6: {  	_ =	sfence  }
0xb7: {  	s30 =	sld [smem:$0x0];
	_ =	sdelay $0x2  }
0xb8: {  	s31 =	sshll.u32 s1, $0xD;
	s1 =	sshrl.u32 s1, $0x2  }
0xb9: {  	s3 =	sand.u32 $0x4000, s31;
	s1 =	sadd.s32 s1, s30  }
0xba: {  	s0 =	sor.u32 s3, s0;
	s1 =	sshll.u32 s1, $0x11  }
0xbb: {  	s0 =	sor.u32 s1, s0  }
0xbc: {  	s0 =	sadd.s32 $0x8F2B, s0  }
0xbd: {  	[sflag:s0] =	ssyncadd.remote.s32 $0x1  }
0xbe: {  	_ =	sfence.sel $0xFFFF  }
0xbf: {  	[dreg:$0x0] =	wrdreg $0xFFFFFFFF;
	(pc) =	sbr.abs _section_cstart, $3  }
0xc0: {  	[dreg:$0x1] =	wrdreg $0xFFFFFFFF  }
0xc1: {  	_ =	task.clear_ibuf [dreg:s6], $0x2FFFF;
	_ =	strace $0x9FFFFFFF  }
0xc2: {  	(tm) =	ssettm $0x7FFFFFFF  }
0xc3: {  	_ =	shalt  }
tec
execute0_lowered:
.L_overlay_start_1:
0x0: {  	(tag) =	ssettag $0x1  }
0x1: {  	s0 =	srdreg.scid;
	s5 =	rddreg [dreg:$0x0]  }
0x2: {  	s2 =	rddreg [dreg:$0x1];
	s3 =	simm.s32 $0x0;
	s12 =	simm.s32 $0x1  }
0x3: {  	s13 =	simm.s32 $0x2800;
	s14 =	simm.s32 $0x80;
	s4 =	sand.u32 $0x1, s0  }
0x4: {  	s17 =	simm.s32 $0x0;
	s0 =	stileid.u32;
	s7 =	smul.u32 $0x140000, s4  }
0x5: {  	[smem:$0x7FF] =	sst s3;
	s1 =	sshll.u32 s4, $0x4;
	s8 =	smul.u32 $0x14000, s0  }
0x6: {  	s9 =	smul.u32 $0x50000, s0;
	s29 =	ssub.s32 $0x2, s4;
	s15 =	sshll.u32 s0, $0x6  }
0x7: {  	s1 =	sor.u32 s0, s1;
	s31 =	sshrl.u32 s29, $0x1;
	s15 =	sor.u32 $0x1C01, s15  }
0x8: {  	s6 =	smul.u32 $0x500, s1;
	s1 =	rddreg [dreg:$0x2];
	_ =	strace $0x80000047  }
0x9: {  	s7 =	sadd.s32 s8, s7;
	s30 =	sshrl.u32 s9, $0x2;
	s11 =	ssub.s32 s29, s31  }
0xa: {  	s7 =	sshrl.u32 s7, $0x3;
	s4 =	sadd.s32 s30, s2;
	s11 =	smax.u32 s11, $0x1  }
0xb: {  	s6 =	sadd.s32 s6, s5;
	s10 =	sadd.s32 s7, s5;
	s7 =	sadd.s32 $0x8000, s4  }
0xc: {  	s8 =	sadd.s32 $0xC000, s4;
	s9 =	sadd.s32 $0x10000, s4;
	s16 =	sshrl.u32 s4, $0x3  }
0xd: {  	v0 =	vimm.f32 $0.0e+00;
	v1 =	vimm.f32 $1.000000000e+00;
	s5 =	sadd.s32 $0x6C00, s6;
	s6 =	sadd.s32 $0x4000, s4;
	s10 =	sadd.s32 $0x10C00, s10  }
.LBB2_1:
0xe: {  	[tilespmem:s3], [sflag:$0x1] =	stream.linear.gather [hbm4b:s5+s3], $0x2800, $0x38;
	[tilespmem:$0x9000] =	vst v63  }
0xf: {  	_ =	swait.ge [sflag:s12], $0x2800  }
0x10: {  	[sflag:s12] =	ssyncset.done $0x0  }
0x11: {  	s18 =	simm.s32 $0x200;
	s19 =	simm.s32 $0x0;
	[sflag:s12] =	ssyncadd.s32 $0xFFFFD800  }
.LBB2_2:
0x12: {  	p0 =	sne.s32 s18, $0xFE00;
	[tilespmem:s19+$0x2800] =	vst v0;
	s19 =	smov.u32 s18;
	s18 =	sadd.s32 $0x200, s18  }
.Ltmp0:
0x13: {  	(pc) =	sbr.rel @p0 .LBB2_2-.Ltmp0, $2  }
0x14: {  	_ =	sdelay $0x2  }
0x15: {  	s19 =	sshra.s32 s19, $0x2  }
0x16: {  	[tilespmem:s19+$0x2800] =	vst v0  }
0x17: {  	[spmem:s4] =	stream.linear.scatter [tilespmem:s13], [sflag:$0x1], $0x4000, $0x38;
	[tilespmem:$0x9000] =	vst v63  }
0x18: {  	_ =	swait.ge [sflag:s12], $0x4000  }
0x19: {  	[sflag:s12] =	ssyncset.done $0x0  }
0x1a: {  	[sflag:s12] =	ssyncadd.s32 $0xFFFFC000  }
0x1b: {  	[spmem:s6] =	stream.linear.scatter [tilespmem:s13], [sflag:$0x1], $0x4000, $0x38;
	[tilespmem:$0x9000] =	vst v63  }
0x1c: {  	_ =	swait.ge [sflag:s12], $0x4000  }
0x1d: {  	[sflag:s12] =	ssyncset.done $0x0  }
0x1e: {  	[sflag:s12] =	ssyncadd.s32 $0xFFFFC000  }
0x1f: {  	[spmem:s7] =	stream.linear.scatter [tilespmem:s13], [sflag:$0x1], $0x4000, $0x38;
	[tilespmem:$0x9000] =	vst v63  }
0x20: {  	_ =	swait.ge [sflag:s12], $0x4000  }
0x21: {  	[sflag:s12] =	ssyncset.done $0x0  }
0x22: {  	[sflag:s12] =	ssyncadd.s32 $0xFFFFC000  }
0x23: {  	[spmem:s8] =	stream.linear.scatter [tilespmem:s13], [sflag:$0x1], $0x4000, $0x38;
	[tilespmem:$0x9000] =	vst v63  }
0x24: {  	_ =	swait.ge [sflag:s12], $0x4000  }
0x25: {  	[sflag:s12] =	ssyncset.done $0x0  }
0x26: {  	[sflag:s12] =	ssyncadd.s32 $0xFFFFC000  }
0x27: {  	[spmem:s9] =	stream.linear.scatter [tilespmem:s13], [sflag:$0x1], $0x4000, $0x38;
	[tilespmem:$0x9000] =	vst v63  }
0x28: {  	_ =	swait.ge [sflag:s12], $0x4000  }
0x29: {  	[sflag:s12] =	ssyncset.done $0x0  }
0x2a: {  	s18 =	simm.s32 $0x200;
	s19 =	simm.s32 $0x0;
	[sflag:s12] =	ssyncadd.s32 $0xFFFFC000  }
.LBB2_4:
0x2b: {  	p0 =	sne.s32 s18, $0xFE00;
	[tilespmem:s19+$0x2800] =	vst v1;
	s19 =	smov.u32 s18;
	s18 =	sadd.s32 $0x200, s18  }
.Ltmp1:
0x2c: {  	(pc) =	sbr.rel @p0 .LBB2_4-.Ltmp1, $2  }
0x2d: {  	_ =	sdelay $0x2  }
0x2e: {  	s19 =	sshra.s32 s19, $0x2  }
0x2f: {  	[tilespmem:s19+$0x2800] =	vst v1  }
0x30: {  	s18 =	simm.s32 $0x0;
	[bflag:$0x0] =	sbarrier.arrive $0xFFFF  }
0x31: {  	[spmem:s2] =	stream.indirect.scatter.add.f32 [tilespmem:s13], [sflag:$0x1], $0x10, s18, s14, $0xb8;
	[tilespmem:$0x9000] =	vst v63  }
0x32: {  	_ =	swait.ge [sflag:s12], $0x800  }
0x33: {  	s18 =	simm.s32 $0x200;
	[sflag:s12] =	ssyncset.done $0x0  }
.LBB2_6:
0x34: {  	s19 =	sshra.s32 s18, $0x2;
	[sflag:s12] =	ssyncadd.s32 $0xFFFFF800;
	p0 =	sne.s32 s18, $0x9C00  }
0x35: {  	[spmem:s2] =	stream.indirect.scatter.add.f32 [tilespmem:s13], [sflag:$0x1], $0x10, s19, s14, $0xb8;
	[tilespmem:$0x9000] =	vst v63  }
.Ltmp2:
0x36: {  	_ = 	snop;
	(pc) =	sbr.rel @p0 .LBB2_6-.Ltmp2, $4  }
0x37: {  	_ = 	snop  }
0x38: {  	s18 =	sadd.s32 $0x200, s18  }
0x39: {  	_ =	swait.ge [sflag:s12], $0x800  }
0x3a: {  	[sflag:s12] =	ssyncset.done $0x0  }
0x3b: {  	s17 =	sadd.s32 $0x1, s17  }
0x3c: {  	[sflag:s12] =	ssyncadd.s32 $0xFFFFF800;
	p0 =	sne.s32 s17, s11  }
.Ltmp3:
0x3d: {  	[bflag:$0x0] =	sbarrier.arrive $0xFFFF;
	(pc) =	sbr.rel @p0 .LBB2_1-.Ltmp3, $4  }
0x3e: {  	[hbm:s10], [sflag:s15] =	dma.local [spmem:s16], $0x2800  }
0x3f: {  	_ =	swait.ge [sflag:s12], $0x2800  }
0x40: {  	[sflag:s12] =	ssyncset.done $0x0  }
0x41: {  	[sflag:s12] =	ssyncadd.s32 $0xFFFFD800  }
0x42: {  	_ =	sfence.sel $0x180000  }
0x43: {  	[bflag:$0x0] =	sbarrier.arrive $0xFFFF  }
0x44: {  	p0 =	sne.s32 s0, $0x0;
	_ =	strace $0x90000047  }
0x45: {  	s0 =	sadd.s32 @!p0 $0x100000, s1;
	[bflag:$0x2] =	sbarrier.arrive $0xFFFF  }
0x46: {  	[sflag:s0] =	ssyncadd.tile.s32 @!p0 $0x1;
	_ =	shalt  }
.Lfunc_end2:
_tile_overlayer_lowered:
.L_overlay_start_2:
0x47: {  	(tag) =	ssettag $0x2  }
0x48: {  	s0 =	rddreg [dreg:$0x0];
	s2 =	stileid.u32  }
0x49: {  	s1 =	rddreg [dreg:$0x1];
	p0 =	sne.s32 s2, $0x0  }
0x4a: {  	s3 =	rddreg [dreg:$0x2];
	[bflag:$0x3] =	sbarrier.arrive $0xFFFF;
	s2 =	simm.s32 @!p0 $0x1C01  }
0x4b: {  	[timem:s3], [sflag:s2] =	dma.local @!p0 [hbm:s0], s1  }
0x4c: {  	s0 =	simm.s32 @!p0 $0x1  }
0x4d: {  	_ =	swait.ge @!p0 [sflag:s0], s1  }
0x4e: {  	s1 =	ssub.s32 @!p0 $0x0, s1;
	[sflag:s0] =	ssyncset.done @!p0 $0x0  }
0x4f: {  	[sflag:s0] =	ssyncadd.s32 @!p0 s1  }
0x50: {  	[bflag:$0x3] =	sbarrier.arrive $0xFFFF  }
0x51: {  	_ =	shalt  }

// kernel: kernel.18.cloned.1.call-start
scs
__scs_entry_jumppad:
0x0: {  	(pc) =	sbr.rel $0x88, $3  }
0x1: {  	(tag) =	ssettag $0x0;
	lr =	simm.s32 $0x1  }
0x2: {  	[smem:$0x3F8E] =	sst lr;
	_ =	strace $0xD0000000  }
0x3: {  	_ = 	snop  }
0x4: {  	_ = 	snop  }
0x5: {  	_ = 	snop  }
0x6: {  	_ = 	snop  }
0x7: {  	_ = 	snop  }
__scs_overlays_trampoline_lowered:
0x8: {  	[smem:$0x3F9D] =	sst s0  }
0x9: {  	[smem:$0x3F9E] =	sst s1  }
0xa: {  	[smem:$0x3F9F] =	sst s2  }
0xb: {  	[smem:$0x3FA0] =	sst s3  }
0xc: {  	[smem:$0x3FA1] =	sst s4  }
0xd: {  	[smem:$0x3FA2] =	sst s5  }
0xe: {  	[smem:$0x3FA3] =	sst s6  }
0xf: {  	[smem:$0x3FA4] =	sst s7  }
0x10: {  	[smem:$0x3FA5] =	sst s8  }
0x11: {  	[smem:$0x3FA6] =	sst s9;
	s0 =	simm.s32 @!p0 $0x0  }
0x12: {  	s1 =	sld [smem:$0x3F8C];
	s0 =	simm.s32 @p0 $0x1  }
0x13: {  	[smem:$0x3FA7] =	sst s0;
	s0 =	simm.s32 @!p1 $0x0  }
0x14: {  	s2 =	sld [smem:$0x3F8B];
	s0 =	simm.s32 @p1 $0x1  }
0x15: {  	[smem:$0x3FA8] =	sst s0;
	s0 =	simm.s32 @!p2 $0x0  }
0x16: {  	s3 =	sld [smem:$0x3FDB];
	s0 =	simm.s32 @p2 $0x1  }
0x17: {  	s4 =	simm.s32 $0x1BF5;
	[smem:$0x3FAA] =	sst s0  }
0x18: {  	s0 =	sld [smem:$0x3F8D];
	_ =	swait.ge [sflag:s4], $0x0  }
0x19: {  	s7 =	sld [smem:$0x3F8E]  }
0x1a: {  	s8 =	sadd.s32 $0xFFFFE003, lr  }
0x1b: {  	s9 =	sadd.s32 $0xFFFFFEF7, lr;
	s5 =	simm.s32 $0xFFFFFFFF;
	p2 =	slt.u32 s8, $0xFFFFF086  }
0x1c: {  	p1 =	slt.u32 s9, $0xF7A;
	s5 =	simm.s32 @!p2 $0x0  }
0x1d: {  	s5 =	simm.s32 @p1 $0x1;
	p0 =	seq.s32 s7, s2  }
0x1e: {  	s7 =	smul.u32 @!p0 $0xF7A, s2;
	p2 =	seq.s32 @!p0 s5, $0x0  }
0x1f: {  	s9 =	smul.u32 $0xF7A, s1;
	s8 =	simm.s32 @!p0 $0x1BF5;
	p2 =	por !p2, p0  }
0x20: {  	[sflag:s8] =	ssyncset.s32 @!p0 $0xFFFFF086;
	s6 =	sadd.s32 @!p0 s3, s7;
	s7 =	simm.s32 @!p0 $0x108  }
0x21: {  	s3 =	sadd.s32 s3, s9;
	s6 =	sadd.s32 @!p0 $0x88, s6;
	s7 =	simm.s32 @p2 $0x1082  }
0x22: {  	[simem:s7], [sflag:s8] =	dma.local @!p0 [hbm:s6], $0xF7A  }
0x23: {  	s9 =	sor.u32 $0xD0000000, s2;
	s6 =	simm.s32 $0x108;
	_ =	swait.ge @!p0 [sflag:s8], $0x0  }
0x24: {  	s3 =	sadd.s32 $0x88, s3;
	s6 =	simm.s32 @!p1 $0x1082;
	[sflag:s4] =	ssyncset.s32 $0xFFFFF086  }
0x25: {  	[simem:s6], [sflag:s4] =	dma.local [hbm:s3], $0xF7A  }
0x26: {  	[smem:$0x3F8E] =	sst s1;
	(tag) =	ssettag s2;
	_ =	strace s9  }
0x27: {  	s1 =	sld [smem:$0x3F9E]  }
0x28: {  	s2 =	sld [smem:$0x3F9F]  }
0x29: {  	s4 =	sld [smem:$0x3FA1]  }
0x2a: {  	p0 =	seq.s32 s5, $0x0;
	s5 =	sld [smem:$0x3FA2]  }
0x2b: {  	s6 =	sld [smem:$0x3FA3]  }
0x2c: {  	s7 =	sld [smem:$0x3FA4]  }
0x2d: {  	s3 =	simm.s32 $0x108;
	s8 =	sld [smem:$0x3FA5]  }
0x2e: {  	s3 =	simm.s32 @!p0 $0x1082;
	s9 =	sld [smem:$0x3FA6]  }
0x2f: {  	lr =	sadd.s32 s0, s3;
	s0 =	sld [smem:$0x3F9D]  }
0x30: {  	s3 =	sld [smem:$0x3FA0]  }
0x31: {  	[smem:$0x3FA9] =	sst s10  }
0x32: {  	s10 =	sld [smem:$0x3FA7];
	_ =	sdelay $0x3  }
0x33: {  	p0 =	seq.s32 s10, $0x1;
	s10 =	sld [smem:$0x3FA9];
	_ =	sdelay $0x3  }
0x34: {  	[smem:$0x3FA9] =	sst s10  }
0x35: {  	s10 =	sld [smem:$0x3FA8];
	_ =	sdelay $0x3  }
0x36: {  	p1 =	seq.s32 s10, $0x1;
	s10 =	sld [smem:$0x3FA9];
	_ =	sdelay $0x3  }
0x37: {  	[smem:$0x3FA9] =	sst s10  }
0x38: {  	s10 =	sld [smem:$0x3FAA]  }
0x39: {  	_ = 	snop;
	(pc) =	sbr.ind lr, $3  }
0x3a: {  	_ = 	snop  }
0x3b: {  	_ = 	snop  }
0x3c: {  	p2 =	seq.s32 s10, $0x1;
	s10 =	sld [smem:$0x3FA9]  }
0x3d: {  	_ =	shalt  }
0x3e: {  	_ =	shalt  }
0x3f: {  	_ =	shalt  }
0x40: {  	_ =	shalt  }
0x41: {  	_ =	shalt  }
0x42: {  	_ =	shalt  }
0x43: {  	_ =	shalt  }
0x44: {  	_ =	shalt  }
0x45: {  	_ =	shalt  }
0x46: {  	_ =	shalt  }
0x47: {  	_ =	shalt  }
0x48: {  	_ =	shalt  }
0x49: {  	_ =	shalt  }
0x4a: {  	_ =	shalt  }
0x4b: {  	_ =	shalt  }
0x4c: {  	_ =	shalt  }
0x4d: {  	_ =	shalt  }
0x4e: {  	_ =	shalt  }
0x4f: {  	_ =	shalt  }
0x50: {  	_ =	shalt  }
0x51: {  	_ =	shalt  }
0x52: {  	_ =	shalt  }
0x53: {  	_ =	shalt  }
0x54: {  	_ =	shalt  }
0x55: {  	_ =	shalt  }
0x56: {  	_ =	shalt  }
0x57: {  	_ =	shalt  }
0x58: {  	_ =	shalt  }
0x59: {  	_ =	shalt  }
0x5a: {  	_ =	shalt  }
0x5b: {  	_ =	shalt  }
0x5c: {  	_ =	shalt  }
0x5d: {  	_ =	shalt  }
0x5e: {  	_ =	shalt  }
0x5f: {  	_ =	shalt  }
0x60: {  	_ =	shalt  }
0x61: {  	_ =	shalt  }
0x62: {  	_ =	shalt  }
0x63: {  	_ =	shalt  }
0x64: {  	_ =	shalt  }
0x65: {  	_ =	shalt  }
0x66: {  	_ =	shalt  }
0x67: {  	_ =	shalt  }
0x68: {  	_ =	shalt  }
0x69: {  	_ =	shalt  }
0x6a: {  	_ =	shalt  }
0x6b: {  	_ =	shalt  }
0x6c: {  	_ =	shalt  }
0x6d: {  	_ =	shalt  }
0x6e: {  	_ =	shalt  }
0x6f: {  	_ =	shalt  }
0x70: {  	_ =	shalt  }
0x71: {  	_ =	shalt  }
0x72: {  	_ =	shalt  }
0x73: {  	_ =	shalt  }
0x74: {  	_ =	shalt  }
0x75: {  	_ =	shalt  }
0x76: {  	_ =	shalt  }
0x77: {  	_ =	shalt  }
0x78: {  	_ =	shalt  }
0x79: {  	_ =	shalt  }
0x7a: {  	_ =	shalt  }
0x7b: {  	_ =	shalt  }
0x7c: {  	_ =	shalt  }
0x7d: {  	_ =	shalt  }
0x7e: {  	_ =	shalt  }
0x7f: {  	_ =	shalt  }
0x80: {  	_ =	shalt  }
0x81: {  	_ =	shalt  }
0x82: {  	_ =	shalt  }
0x83: {  	_ =	shalt  }
0x84: {  	_ =	shalt  }
0x85: {  	_ =	shalt  }
0x86: {  	_ =	shalt  }
0x87: {  	_ =	shalt  }
.Lfunc_end0:
.L_simem_size_0:
called_computation.1_lowered:
.L_overlay_start_0:
0x88: {  	s2 =	sld [smem:$0x3FD9]  }
0x89: {  	s3 =	sld [smem:$0x3FFE];
	_ =	sdelay $0x1  }
0x8a: {  	s1 =	srdreg.scid  }
0x8b: {  	s0 =	sand.u32 $0x1, s1  }
0x8c: {  	s16 =	sshll.u32 s0, $0xA;
	s2 =	sadd.s32 s3, s2  }
0x8d: {  	s2 =	sadd.s32 s2, s16  }
0x8e: {  	[smem:$0x3FB5] =	sst s2  }
0x8f: {  	_ = 	snop  }
0x90: {  	(tm) =	ssettm $0x1  }
0x91: {  	s17 =	sld [smem:$0x3FFB];
	_ =	sdelay $0x3  }
0x92: {  	_ =	strace s17  }
0x93: {  	s2 =	sld [smem:$0x3FFC];
	_ =	sdelay $0x3  }
0x94: {  	_ =	strace s2  }
0x95: {  	s2 =	sld [smem:$0x3FFD];
	_ =	sdelay $0x3  }
0x96: {  	_ =	strace s2  }
0x97: {  	_ =	strace $0x8FFFFFFF  }
0x98: {  	s18 =	sld [smem:$0x3FDB];
	_ =	sdelay $0x1  }
0x99: {  	s19 =	simm.s32 $_scs_section_size  }
0x9a: {  	s4 =	simm.s32 $_size__tile_overlayer_lowered;
	s5 =	simm.s32 $_tile_overlayer_lowered  }
0x9b: {  	s22 =	simm.s32 $0x1BFF;
	s21 =	sshll.u32 s5, $0x1;
	s2 =	sadd.s32 s19, s18  }
0x9c: {  	s6 =	simm.s32 $0x0;
	s20 =	sshll.u32 s4, $0x1;
	s4 =	sadd.s32 s21, s2  }
0x9d: {  	[timem:s6], [sflag:s22] =	dma.local [hbm:s4], s20  }
0x9e: {  	_ =	swait.ge [sflag:s22], s20  }
0x9f: {  	s3 =	ssub.s32 $0x0, s20;
	[sflag:s22] =	ssyncset.done $0x0  }
0xa0: {  	[sflag:s22] =	ssyncadd.s32 s3;
	_ =	sdelay $0x1  }
0xa1: {  	s23 =	simm.s32 $0x1B8B  }
0xa2: {  	_ =	swait.ge [sflag:s23], $0x1  }
0xa3: {  	[sflag:s23] =	ssyncset.done $0x0  }
0xa4: {  	s25 =	simm.s32 $0x1B8E;
	s24 =	sld [smem:$0x3FFE];
	[sflag:s23] =	ssyncadd.s32 $0xFFFFFFFF  }
0xa5: {  	s26 =	simm.s32 $execute0_lowered;
	[smem:$0x3FD2] =	sst s25  }
0xa6: {  	s4 =	sshll.u32 s26, $0x1;
	_ =	strace $0x80000049;
	[dreg:$0x1] =	wrdreg $0xFFFFFFFF  }
0xa7: {  	s28 =	simm.s32 $_size_execute0_lowered;
	s2 =	sadd.s32 s2, s4;
	[dreg:$0x0] =	wrdreg $0x0  }
0xa8: {  	s4 =	sshll.u32 s28, $0x1;
	[dreg:$0x2] =	wrdreg s2  }
0xa9: {  	[dreg:$0x3] =	wrdreg s4  }
0xaa: {  	[dreg:$0x4] =	wrdreg $0xC0  }
0xab: {  	_ =	task [dreg:s6], $0x5FFFF  }
0xac: {  	[dreg:$0x1] =	wrdreg $0xFFFFFFFF  }
0xad: {  	[dreg:$0x0] =	wrdreg $0x60  }
0xae: {  	[dreg:$0x2] =	wrdreg s24  }
0xaf: {  	[dreg:$0x3] =	wrdreg $0x90000  }
0xb0: {  	[dreg:$0x4] =	wrdreg $0x9  }
0xb1: {  	_ =	task.clear_ibuf [dreg:s6], $0x5FFFF;
	_ =	strace $0x90000049  }
0xb2: {  	s29 =	simm.s32 $0x9;
	_ =	strace $0x8000004B  }
0xb3: {  	_ =	swait.ge [sflag:s29], $0x1  }
0xb4: {  	[sflag:s29] =	ssyncadd.s32 $0xFFFFFFFF  }
0xb5: {  	_ =	strace $0x9000004B  }
0xb6: {  	_ =	sfence  }
0xb7: {  	s30 =	sld [smem:$0x0];
	_ =	sdelay $0x2  }
0xb8: {  	s31 =	sshll.u32 s1, $0xD;
	s1 =	sshrl.u32 s1, $0x2  }
0xb9: {  	s3 =	sand.u32 $0x4000, s31;
	s1 =	sadd.s32 s1, s30  }
0xba: {  	s0 =	sor.u32 s3, s0;
	s1 =	sshll.u32 s1, $0x11  }
0xbb: {  	s0 =	sor.u32 s1, s0  }
0xbc: {  	s0 =	sadd.s32 $0x8F2B, s0  }
0xbd: {  	[sflag:s0] =	ssyncadd.remote.s32 $0x1  }
0xbe: {  	_ =	sfence.sel $0xFFFF  }
0xbf: {  	[dreg:$0x0] =	wrdreg $0xFFFFFFFF;
	(pc) =	sbr.abs _section_cstart, $3  }
0xc0: {  	[dreg:$0x1] =	wrdreg $0xFFFFFFFF  }
0xc1: {  	_ =	task.clear_ibuf [dreg:s6], $0x2FFFF;
	_ =	strace $0x9FFFFFFF  }
0xc2: {  	(tm) =	ssettm $0x7FFFFFFF  }
0xc3: {  	_ =	shalt  }
tec
execute0_lowered:
.L_overlay_start_1:
0x0: {  	(tag) =	ssettag $0x1  }
0x1: {  	s0 =	srdreg.scid;
	s6 =	rddreg [dreg:$0x0]  }
0x2: {  	s2 =	rddreg [dreg:$0x1];
	s3 =	simm.s32 $0x0;
	s14 =	simm.s32 $0x5000  }
0x3: {  	s15 =	simm.s32 $0x2;
	s16 =	simm.s32 $0x2800;
	s5 =	sand.u32 $0x1, s0  }
0x4: {  	s17 =	simm.s32 $0x80;
	s0 =	stileid.u32;
	s8 =	smul.u32 $0x140000, s5  }
0x5: {  	s18 =	simm.s32 $0x1;
	[smem:$0x7FF] =	sst s3;
	s9 =	smul.u32 $0x14000, s0  }
0x6: {  	s4 =	sadd.s32 $0x10C00, s6;
	s1 =	sshll.u32 s5, $0x4;
	s10 =	smul.u32 $0x50000, s0  }
0x7: {  	s29 =	ssub.s32 $0x2, s5;
	s19 =	sshll.u32 s0, $0x6;
	s1 =	sor.u32 s0, s1  }
0x8: {  	s31 =	sshrl.u32 s29, $0x1;
	s19 =	sor.u32 $0x1C02, s19;
	s7 =	smul.u32 $0x500, s1  }
0x9: {  	s1 =	rddreg [dreg:$0x2];
	_ =	strace $0x8000004A;
	s30 =	sshrl.u32 s10, $0x2  }
0xa: {  	s28 =	sadd.s32 s9, s8;
	s13 =	ssub.s32 s29, s31;
	s5 =	sadd.s32 s30, s2  }
0xb: {  	s13 =	smax.u32 s13, $0x1;
	s11 =	sadd.s32 s7, s6;
	s7 =	sshrl.u32 s28, $0x3  }
0xc: {  	s8 =	sadd.s32 $0xC000, s5;
	s9 =	sadd.s32 $0x10000, s5;
	s20 =	sshrl.u32 s5, $0x3  }
0xd: {  	s12 =	sadd.s32 s7, s6;
	s6 =	sadd.s32 $0x4000, s5;
	s7 =	sadd.s32 $0x8000, s5  }
0xe: {  	v0 =	vimm.f32 $0.0e+00;
	s10 =	sadd.s32 $0x60C00, s11;
	s11 =	sadd.s32 $0x6C00, s11;
	s12 =	sadd.s32 $0x6AC00, s12  }
.LBB2_1:
0xf: {  	s21 =	simm.s32 $0x0;
	s22 =	simm.s32 $0x200  }
.LBB2_2:
0x10: {  	p0 =	sne.s32 s22, $0xFE00;
	[tilespmem:s21+$0x5070] =	vst v0  }
0x11: {  	[tilespmem:s21+$0x5000] =	vst v0  }
0x12: {  	[tilespmem:s21+$0x5010] =	vst v0  }
.Ltmp0:
0x13: {  	[tilespmem:s21+$0x5020] =	vst v0;
	(pc) =	sbr.rel @p0 .LBB2_2-.Ltmp0, $4  }
0x14: {  	[tilespmem:s21+$0x5030] =	vst v0  }
0x15: {  	[tilespmem:s21+$0x5040] =	vst v0  }
0x16: {  	[tilespmem:s21+$0x5050] =	vst v0  }
0x17: {  	[tilespmem:s21+$0x5060] =	vst v0;
	s21 =	sshra.s32 s22, $0x2;
	s22 =	sadd.s32 $0x200, s22  }
0x18: {  	[tilespmem:s21+$0x5070] =	vst v0  }
0x19: {  	[tilespmem:s21+$0x5000] =	vst v0  }
0x1a: {  	[tilespmem:s21+$0x5010] =	vst v0  }
0x1b: {  	[tilespmem:s21+$0x5020] =	vst v0  }
0x1c: {  	[tilespmem:s21+$0x5030] =	vst v0  }
0x1d: {  	[tilespmem:s21+$0x5040] =	vst v0  }
0x1e: {  	[tilespmem:s21+$0x5050] =	vst v0  }
0x1f: {  	[tilespmem:s21+$0x5060] =	vst v0  }
0x20: {  	[spmem:s5] =	stream.linear.scatter [tilespmem:s14], [sflag:$0x2], $0x4000, $0x38;
	[tilespmem:$0x1D000] =	vst v63  }
0x21: {  	_ =	swait.ge [sflag:s15], $0x4000  }
0x22: {  	[sflag:s15] =	ssyncset.done $0x0  }
0x23: {  	[sflag:s15] =	ssyncadd.s32 $0xFFFFC000  }
0x24: {  	[spmem:s6] =	stream.linear.scatter [tilespmem:s14], [sflag:$0x2], $0x4000, $0x38;
	[tilespmem:$0x1D000] =	vst v63  }
0x25: {  	_ =	swait.ge [sflag:s15], $0x4000  }
0x26: {  	[sflag:s15] =	ssyncset.done $0x0  }
0x27: {  	[sflag:s15] =	ssyncadd.s32 $0xFFFFC000  }
0x28: {  	[spmem:s7] =	stream.linear.scatter [tilespmem:s14], [sflag:$0x2], $0x4000, $0x38;
	[tilespmem:$0x1D000] =	vst v63  }
0x29: {  	_ =	swait.ge [sflag:s15], $0x4000  }
0x2a: {  	[sflag:s15] =	ssyncset.done $0x0  }
0x2b: {  	[sflag:s15] =	ssyncadd.s32 $0xFFFFC000  }
0x2c: {  	[spmem:s8] =	stream.linear.scatter [tilespmem:s14], [sflag:$0x2], $0x4000, $0x38;
	[tilespmem:$0x1D000] =	vst v63  }
0x2d: {  	_ =	swait.ge [sflag:s15], $0x4000  }
0x2e: {  	[sflag:s15] =	ssyncset.done $0x0  }
0x2f: {  	[sflag:s15] =	ssyncadd.s32 $0xFFFFC000  }
0x30: {  	[spmem:s9] =	stream.linear.scatter [tilespmem:s14], [sflag:$0x2], $0x4000, $0x38;
	[tilespmem:$0x1D000] =	vst v63  }
0x31: {  	_ =	swait.ge [sflag:s15], $0x4000  }
0x32: {  	[sflag:s15] =	ssyncset.done $0x0  }
0x33: {  	[sflag:s15] =	ssyncadd.s32 $0xFFFFC000  }
0x34: {  	s29 =	simm.s32 $0x0;
	[bflag:$0x0] =	sbarrier.arrive $0xFFFF  }
0x35: {  	[tilespmem:s29], [sflag:$0x2] =	stream.linear.gather [hbm4b:s10+s29], $0x2800, $0x38;
	[tilespmem:$0x1D000] =	vst v63  }
0x36: {  	_ =	swait.ge [sflag:s15], $0x2800  }
0x37: {  	[sflag:s15] =	ssyncset.done $0x0  }
0x38: {  	[sflag:s15] =	ssyncadd.s32 $0xFFFFD800  }
0x39: {  	[tilespmem:s16], [sflag:$0x2] =	stream.linear.gather [hbm4b:s11+s29], $0x2800, $0x38;
	[tilespmem:$0x1D000] =	vst v63  }
0x3a: {  	_ =	swait.ge [sflag:s15], $0x2800  }
0x3b: {  	[sflag:s15] =	ssyncset.done $0x0  }
0x3c: {  	s30 =	simm.s32 $0x0;
	[sflag:s15] =	ssyncadd.s32 $0xFFFFD800  }
0x3d: {  	[tilespmem:s14], [sflag:$0x1] =	stream.indirect.gather [hbm4b:s4+s17], $0x80, s30, s17, $0xb8;
	[tilespmem:$0x1D000] =	vst v63  }
0x3e: {  	_ =	swait.ge [sflag:s18], $0x4000  }
0x3f: {  	[sflag:s18] =	ssyncset.done $0x0  }
0x40: {  	s31 =	simm.s32 $0x2800;
	[sflag:s18] =	ssyncadd.s32 $0xFFFFC000  }
0x41: {  	[spmem:s2] =	stream.indirect.scatter.add.f32 [tilespmem:s14], [sflag:$0x2], $0x80, s31, s17, $0xb8;
	[tilespmem:$0x1D000] =	vst v63  }
0x42: {  	_ =	swait.ge [sflag:s15], $0x4000  }
0x43: {  	s21 =	simm.s32 $0x200;
	s22 =	simm.s32 $0x400;
	[sflag:s15] =	ssyncset.done $0x0  }
.LBB2_4:
0x44: {  	s23 =	sshra.s32 s21, $0x2  }
0x45: {  	[sflag:s15] =	ssyncadd.s32 $0xFFFFC000;
	s21 =	smov.u32 s22;
	s24 =	sadd.s32 $0x200, s22  }
0x46: {  	[tilespmem:s14], [sflag:$0x1] =	stream.indirect.gather [hbm4b:s4+s17], $0x80, s23, s17, $0xb8;
	[tilespmem:$0x1D000] =	vst v63  }
0x47: {  	p0 =	sne.s32 s22, $0x9C00;
	_ =	swait.ge [sflag:s18], $0x4000  }
.Ltmp1:
0x48: {  	[sflag:s18] =	ssyncset.done $0x0;
	(pc) =	sbr.rel @p0 .LBB2_4-.Ltmp1, $4  }
0x49: {  	s22 =	sadd.s32 $0x2800, s23;
	[sflag:s18] =	ssyncadd.s32 $0xFFFFC000  }
0x4a: {  	[spmem:s2] =	stream.indirect.scatter.add.f32 [tilespmem:s14], [sflag:$0x2], $0x80, s22, s17, $0xb8;
	[tilespmem:$0x1D000] =	vst v63  }
0x4b: {  	_ =	swait.ge [sflag:s15], $0x4000  }
0x4c: {  	s22 =	smov.u32 s24;
	[sflag:s15] =	ssyncset.done $0x0  }
0x4d: {  	s21 =	sshra.s32 s21, $0x2;
	[sflag:s15] =	ssyncadd.s32 $0xFFFFC000  }
0x4e: {  	[tilespmem:s14], [sflag:$0x1] =	stream.indirect.gather [hbm4b:s4+s17], $0x80, s21, s17, $0xb8;
	[tilespmem:$0x1D000] =	vst v63  }
0x4f: {  	_ =	swait.ge [sflag:s18], $0x4000  }
0x50: {  	[sflag:s18] =	ssyncset.done $0x0  }
0x51: {  	s21 =	sadd.s32 $0x2800, s21;
	[sflag:s18] =	ssyncadd.s32 $0xFFFFC000  }
0x52: {  	[spmem:s2] =	stream.indirect.scatter.add.f32 [tilespmem:s14], [sflag:$0x2], $0x80, s21, s17, $0xb8;
	[tilespmem:$0x1D000] =	vst v63  }
0x53: {  	_ =	swait.ge [sflag:s15], $0x4000  }
0x54: {  	s3 =	sadd.s32 $0x1, s3;
	[sflag:s15] =	ssyncset.done $0x0  }
0x55: {  	p0 =	sne.s32 s3, s13;
	[sflag:s15] =	ssyncadd.s32 $0xFFFFC000  }
.Ltmp2:
0x56: {  	[bflag:$0x0] =	sbarrier.arrive $0xFFFF;
	(pc) =	sbr.rel @p0 .LBB2_1-.Ltmp2, $4  }
0x57: {  	[hbm:s12], [sflag:s19] =	dma.local [spmem:s20], $0x2800  }
0x58: {  	_ =	swait.ge [sflag:s15], $0x2800  }
0x59: {  	[sflag:s15] =	ssyncset.done $0x0  }
0x5a: {  	[sflag:s15] =	ssyncadd.s32 $0xFFFFD800  }
0x5b: {  	_ =	sfence.sel $0x180000  }
0x5c: {  	[bflag:$0x0] =	sbarrier.arrive $0xFFFF  }
0x5d: {  	p0 =	sne.s32 s0, $0x0;
	_ =	strace $0x9000004A  }
0x5e: {  	s0 =	sadd.s32 @!p0 $0x100000, s1;
	[bflag:$0x2] =	sbarrier.arrive $0xFFFF  }
0x5f: {  	[sflag:s0] =	ssyncadd.tile.s32 @!p0 $0x1;
	_ =	shalt  }
.Lfunc_end2:
_tile_overlayer_lowered:
.L_overlay_start_2:
0x60: {  	(tag) =	ssettag $0x2  }
0x61: {  	s0 =	rddreg [dreg:$0x0];
	s2 =	stileid.u32  }
0x62: {  	s1 =	rddreg [dreg:$0x1];
	p0 =	sne.s32 s2, $0x0  }
0x63: {  	s3 =	rddreg [dreg:$0x2];
	[bflag:$0x3] =	sbarrier.arrive $0xFFFF;
	s2 =	simm.s32 @!p0 $0x1C02  }
0x64: {  	[timem:s3], [sflag:s2] =	dma.local @!p0 [hbm:s0], s1  }
0x65: {  	s0 =	simm.s32 @!p0 $0x2  }
0x66: {  	_ =	swait.ge @!p0 [sflag:s0], s1  }
0x67: {  	s1 =	ssub.s32 @!p0 $0x0, s1;
	[sflag:s0] =	ssyncset.done @!p0 $0x0  }
0x68: {  	[sflag:s0] =	ssyncadd.s32 @!p0 s1  }
0x69: {  	[bflag:$0x3] =	sbarrier.arrive $0xFFFF  }
0x6a: {  	_ =	shalt  }

// kernel: kernel.21.cloned.1.call-start
scs
__scs_entry_jumppad:
0x0: {  	(pc) =	sbr.rel $0x88, $3  }
0x1: {  	(tag) =	ssettag $0x0;
	lr =	simm.s32 $0x1  }
0x2: {  	[smem:$0x3F8E] =	sst lr;
	_ =	strace $0xD0000000  }
0x3: {  	_ = 	snop  }
0x4: {  	_ = 	snop  }
0x5: {  	_ = 	snop  }
0x6: {  	_ = 	snop  }
0x7: {  	_ = 	snop  }
__scs_overlays_trampoline_lowered:
0x8: {  	[smem:$0x3F9D] =	sst s0  }
0x9: {  	[smem:$0x3F9E] =	sst s1  }
0xa: {  	[smem:$0x3F9F] =	sst s2  }
0xb: {  	[smem:$0x3FA0] =	sst s3  }
0xc: {  	[smem:$0x3FA1] =	sst s4  }
0xd: {  	[smem:$0x3FA2] =	sst s5  }
0xe: {  	[smem:$0x3FA3] =	sst s6  }
0xf: {  	[smem:$0x3FA4] =	sst s7  }
0x10: {  	[smem:$0x3FA5] =	sst s8  }
0x11: {  	[smem:$0x3FA6] =	sst s9;
	s0 =	simm.s32 @!p0 $0x0  }
0x12: {  	s1 =	sld [smem:$0x3F8C];
	s0 =	simm.s32 @p0 $0x1  }
0x13: {  	[smem:$0x3FA7] =	sst s0;
	s0 =	simm.s32 @!p1 $0x0  }
0x14: {  	s2 =	sld [smem:$0x3F8B];
	s0 =	simm.s32 @p1 $0x1  }
0x15: {  	[smem:$0x3FA8] =	sst s0;
	s0 =	simm.s32 @!p2 $0x0  }
0x16: {  	s3 =	sld [smem:$0x3FDB];
	s0 =	simm.s32 @p2 $0x1  }
0x17: {  	s4 =	simm.s32 $0x1BF5;
	[smem:$0x3FAA] =	sst s0  }
0x18: {  	s0 =	sld [smem:$0x3F8D];
	_ =	swait.ge [sflag:s4], $0x0  }
0x19: {  	s7 =	sld [smem:$0x3F8E]  }
0x1a: {  	s8 =	sadd.s32 $0xFFFFE003, lr  }
0x1b: {  	s9 =	sadd.s32 $0xFFFFFEF7, lr;
	s5 =	simm.s32 $0xFFFFFFFF;
	p2 =	slt.u32 s8, $0xFFFFF086  }
0x1c: {  	p1 =	slt.u32 s9, $0xF7A;
	s5 =	simm.s32 @!p2 $0x0  }
0x1d: {  	s5 =	simm.s32 @p1 $0x1;
	p0 =	seq.s32 s7, s2  }
0x1e: {  	s7 =	smul.u32 @!p0 $0xF7A, s2;
	p2 =	seq.s32 @!p0 s5, $0x0  }
0x1f: {  	s9 =	smul.u32 $0xF7A, s1;
	s8 =	simm.s32 @!p0 $0x1BF5;
	p2 =	por !p2, p0  }
0x20: {  	[sflag:s8] =	ssyncset.s32 @!p0 $0xFFFFF086;
	s6 =	sadd.s32 @!p0 s3, s7;
	s7 =	simm.s32 @!p0 $0x108  }
0x21: {  	s3 =	sadd.s32 s3, s9;
	s6 =	sadd.s32 @!p0 $0x88, s6;
	s7 =	simm.s32 @p2 $0x1082  }
0x22: {  	[simem:s7], [sflag:s8] =	dma.local @!p0 [hbm:s6], $0xF7A  }
0x23: {  	s9 =	sor.u32 $0xD0000000, s2;
	s6 =	simm.s32 $0x108;
	_ =	swait.ge @!p0 [sflag:s8], $0x0  }
0x24: {  	s3 =	sadd.s32 $0x88, s3;
	s6 =	simm.s32 @!p1 $0x1082;
	[sflag:s4] =	ssyncset.s32 $0xFFFFF086  }
0x25: {  	[simem:s6], [sflag:s4] =	dma.local [hbm:s3], $0xF7A  }
0x26: {  	[smem:$0x3F8E] =	sst s1;
	(tag) =	ssettag s2;
	_ =	strace s9  }
0x27: {  	s1 =	sld [smem:$0x3F9E]  }
0x28: {  	s2 =	sld [smem:$0x3F9F]  }
0x29: {  	s4 =	sld [smem:$0x3FA1]  }
0x2a: {  	p0 =	seq.s32 s5, $0x0;
	s5 =	sld [smem:$0x3FA2]  }
0x2b: {  	s6 =	sld [smem:$0x3FA3]  }
0x2c: {  	s7 =	sld [smem:$0x3FA4]  }
0x2d: {  	s3 =	simm.s32 $0x108;
	s8 =	sld [smem:$0x3FA5]  }
0x2e: {  	s3 =	simm.s32 @!p0 $0x1082;
	s9 =	sld [smem:$0x3FA6]  }
0x2f: {  	lr =	sadd.s32 s0, s3;
	s0 =	sld [smem:$0x3F9D]  }
0x30: {  	s3 =	sld [smem:$0x3FA0]  }
0x31: {  	[smem:$0x3FA9] =	sst s10  }
0x32: {  	s10 =	sld [smem:$0x3FA7];
	_ =	sdelay $0x3  }
0x33: {  	p0 =	seq.s32 s10, $0x1;
	s10 =	sld [smem:$0x3FA9];
	_ =	sdelay $0x3  }
0x34: {  	[smem:$0x3FA9] =	sst s10  }
0x35: {  	s10 =	sld [smem:$0x3FA8];
	_ =	sdelay $0x3  }
0x36: {  	p1 =	seq.s32 s10, $0x1;
	s10 =	sld [smem:$0x3FA9];
	_ =	sdelay $0x3  }
0x37: {  	[smem:$0x3FA9] =	sst s10  }
0x38: {  	s10 =	sld [smem:$0x3FAA]  }
0x39: {  	_ = 	snop;
	(pc) =	sbr.ind lr, $3  }
0x3a: {  	_ = 	snop  }
0x3b: {  	_ = 	snop  }
0x3c: {  	p2 =	seq.s32 s10, $0x1;
	s10 =	sld [smem:$0x3FA9]  }
0x3d: {  	_ =	shalt  }
0x3e: {  	_ =	shalt  }
0x3f: {  	_ =	shalt  }
0x40: {  	_ =	shalt  }
0x41: {  	_ =	shalt  }
0x42: {  	_ =	shalt  }
0x43: {  	_ =	shalt  }
0x44: {  	_ =	shalt  }
0x45: {  	_ =	shalt  }
0x46: {  	_ =	shalt  }
0x47: {  	_ =	shalt  }
0x48: {  	_ =	shalt  }
0x49: {  	_ =	shalt  }
0x4a: {  	_ =	shalt  }
0x4b: {  	_ =	shalt  }
0x4c: {  	_ =	shalt  }
0x4d: {  	_ =	shalt  }
0x4e: {  	_ =	shalt  }
0x4f: {  	_ =	shalt  }
0x50: {  	_ =	shalt  }
0x51: {  	_ =	shalt  }
0x52: {  	_ =	shalt  }
0x53: {  	_ =	shalt  }
0x54: {  	_ =	shalt  }
0x55: {  	_ =	shalt  }
0x56: {  	_ =	shalt  }
0x57: {  	_ =	shalt  }
0x58: {  	_ =	shalt  }
0x59: {  	_ =	shalt  }
0x5a: {  	_ =	shalt  }
0x5b: {  	_ =	shalt  }
0x5c: {  	_ =	shalt  }
0x5d: {  	_ =	shalt  }
0x5e: {  	_ =	shalt  }
0x5f: {  	_ =	shalt  }
0x60: {  	_ =	shalt  }
0x61: {  	_ =	shalt  }
0x62: {  	_ =	shalt  }
0x63: {  	_ =	shalt  }
0x64: {  	_ =	shalt  }
0x65: {  	_ =	shalt  }
0x66: {  	_ =	shalt  }
0x67: {  	_ =	shalt  }
0x68: {  	_ =	shalt  }
0x69: {  	_ =	shalt  }
0x6a: {  	_ =	shalt  }
0x6b: {  	_ =	shalt  }
0x6c: {  	_ =	shalt  }
0x6d: {  	_ =	shalt  }
0x6e: {  	_ =	shalt  }
0x6f: {  	_ =	shalt  }
0x70: {  	_ =	shalt  }
0x71: {  	_ =	shalt  }
0x72: {  	_ =	shalt  }
0x73: {  	_ =	shalt  }
0x74: {  	_ =	shalt  }
0x75: {  	_ =	shalt  }
0x76: {  	_ =	shalt  }
0x77: {  	_ =	shalt  }
0x78: {  	_ =	shalt  }
0x79: {  	_ =	shalt  }
0x7a: {  	_ =	shalt  }
0x7b: {  	_ =	shalt  }
0x7c: {  	_ =	shalt  }
0x7d: {  	_ =	shalt  }
0x7e: {  	_ =	shalt  }
0x7f: {  	_ =	shalt  }
0x80: {  	_ =	shalt  }
0x81: {  	_ =	shalt  }
0x82: {  	_ =	shalt  }
0x83: {  	_ =	shalt  }
0x84: {  	_ =	shalt  }
0x85: {  	_ =	shalt  }
0x86: {  	_ =	shalt  }
0x87: {  	_ =	shalt  }
.Lfunc_end0:
.L_simem_size_0:
called_computation.2_lowered:
.L_overlay_start_0:
0x88: {  	s2 =	sld [smem:$0x3FD9]  }
0x89: {  	s3 =	sld [smem:$0x3FFE];
	_ =	sdelay $0x1  }
0x8a: {  	s1 =	srdreg.scid  }
0x8b: {  	s0 =	sand.u32 $0x1, s1  }
0x8c: {  	s16 =	sshll.u32 s0, $0xA;
	s2 =	sadd.s32 s3, s2  }
0x8d: {  	s2 =	sadd.s32 s2, s16  }
0x8e: {  	[smem:$0x3FB5] =	sst s2  }
0x8f: {  	_ = 	snop  }
0x90: {  	(tm) =	ssettm $0x1  }
0x91: {  	s17 =	sld [smem:$0x3FFB];
	_ =	sdelay $0x3  }
0x92: {  	_ =	strace s17  }
0x93: {  	s2 =	sld [smem:$0x3FFC];
	_ =	sdelay $0x3  }
0x94: {  	_ =	strace s2  }
0x95: {  	s2 =	sld [smem:$0x3FFD];
	_ =	sdelay $0x3  }
0x96: {  	_ =	strace s2  }
0x97: {  	_ =	strace $0x8FFFFFFF  }
0x98: {  	s18 =	sld [smem:$0x3FDB];
	_ =	sdelay $0x1  }
0x99: {  	s19 =	simm.s32 $_scs_section_size  }
0x9a: {  	s4 =	simm.s32 $_size__tile_overlayer_lowered;
	s5 =	simm.s32 $_tile_overlayer_lowered  }
0x9b: {  	s22 =	simm.s32 $0x1BFF;
	s21 =	sshll.u32 s5, $0x1;
	s2 =	sadd.s32 s19, s18  }
0x9c: {  	s6 =	simm.s32 $0x0;
	s20 =	sshll.u32 s4, $0x1;
	s4 =	sadd.s32 s21, s2  }
0x9d: {  	[timem:s6], [sflag:s22] =	dma.local [hbm:s4], s20  }
0x9e: {  	_ =	swait.ge [sflag:s22], s20  }
0x9f: {  	s3 =	ssub.s32 $0x0, s20;
	[sflag:s22] =	ssyncset.done $0x0  }
0xa0: {  	[sflag:s22] =	ssyncadd.s32 s3;
	_ =	sdelay $0x1  }
0xa1: {  	s23 =	simm.s32 $0x1B8B  }
0xa2: {  	_ =	swait.ge [sflag:s23], $0x1  }
0xa3: {  	[sflag:s23] =	ssyncset.done $0x0  }
0xa4: {  	s25 =	simm.s32 $0x1B8E;
	s24 =	sld [smem:$0x3FFE];
	[sflag:s23] =	ssyncadd.s32 $0xFFFFFFFF  }
0xa5: {  	s26 =	simm.s32 $execute0_lowered;
	[smem:$0x3FD2] =	sst s25  }
0xa6: {  	s4 =	sshll.u32 s26, $0x1;
	_ =	strace $0x8000004C;
	[dreg:$0x1] =	wrdreg $0xFFFFFFFF  }
0xa7: {  	s28 =	simm.s32 $_size_execute0_lowered;
	s2 =	sadd.s32 s2, s4;
	[dreg:$0x0] =	wrdreg $0x0  }
0xa8: {  	s4 =	sshll.u32 s28, $0x1;
	[dreg:$0x2] =	wrdreg s2  }
0xa9: {  	[dreg:$0x3] =	wrdreg s4  }
0xaa: {  	[dreg:$0x4] =	wrdreg $0xC0  }
0xab: {  	_ =	task [dreg:s6], $0x5FFFF  }
0xac: {  	[dreg:$0x1] =	wrdreg $0xFFFFFFFF  }
0xad: {  	[dreg:$0x0] =	wrdreg $0x60  }
0xae: {  	[dreg:$0x2] =	wrdreg s24  }
0xaf: {  	[dreg:$0x3] =	wrdreg $0x90000  }
0xb0: {  	[dreg:$0x4] =	wrdreg $0x9  }
0xb1: {  	_ =	task.clear_ibuf [dreg:s6], $0x5FFFF;
	_ =	strace $0x9000004C  }
0xb2: {  	s29 =	simm.s32 $0x9;
	_ =	strace $0x8000004E  }
0xb3: {  	_ =	swait.ge [sflag:s29], $0x1  }
0xb4: {  	[sflag:s29] =	ssyncadd.s32 $0xFFFFFFFF  }
0xb5: {  	_ =	strace $0x9000004E  }
0xb6: {  	_ =	sfence  }
0xb7: {  	s30 =	sld [smem:$0x0];
	_ =	sdelay $0x2  }
0xb8: {  	s31 =	sshll.u32 s1, $0xD;
	s1 =	sshrl.u32 s1, $0x2  }
0xb9: {  	s3 =	sand.u32 $0x4000, s31;
	s1 =	sadd.s32 s1, s30  }
0xba: {  	s0 =	sor.u32 s3, s0;
	s1 =	sshll.u32 s1, $0x11  }
0xbb: {  	s0 =	sor.u32 s1, s0  }
0xbc: {  	s0 =	sadd.s32 $0x8F2B, s0  }
0xbd: {  	[sflag:s0] =	ssyncadd.remote.s32 $0x1  }
0xbe: {  	_ =	sfence.sel $0xFFFF  }
0xbf: {  	[dreg:$0x0] =	wrdreg $0xFFFFFFFF;
	(pc) =	sbr.abs _section_cstart, $3  }
0xc0: {  	[dreg:$0x1] =	wrdreg $0xFFFFFFFF  }
0xc1: {  	_ =	task.clear_ibuf [dreg:s6], $0x2FFFF;
	_ =	strace $0x9FFFFFFF  }
0xc2: {  	(tm) =	ssettm $0x7FFFFFFF  }
0xc3: {  	_ =	shalt  }
tec
execute0_lowered:
.L_overlay_start_1:
0x0: {  	(tag) =	ssettag $0x1  }
0x1: {  	s0 =	srdreg.scid;
	s6 =	rddreg [dreg:$0x0]  }
0x2: {  	s2 =	rddreg [dreg:$0x1];
	s3 =	simm.s32 $0x0;
	s14 =	simm.s32 $0x5000  }
0x3: {  	s15 =	simm.s32 $0x2;
	s16 =	simm.s32 $0x2800;
	s5 =	sand.u32 $0x1, s0  }
0x4: {  	s17 =	simm.s32 $0x80;
	s0 =	stileid.u32;
	s8 =	smul.u32 $0x140000, s5  }
0x5: {  	s18 =	simm.s32 $0x1;
	[smem:$0x7FF] =	sst s3;
	s9 =	smul.u32 $0x14000, s0  }
0x6: {  	s4 =	sadd.s32 $0x10C00, s6;
	s1 =	sshll.u32 s5, $0x4;
	s10 =	smul.u32 $0x50000, s0  }
0x7: {  	s29 =	ssub.s32 $0x2, s5;
	s19 =	sshll.u32 s0, $0x6;
	s1 =	sor.u32 s0, s1  }
0x8: {  	s31 =	sshrl.u32 s29, $0x1;
	s19 =	sor.u32 $0x1C02, s19;
	s7 =	smul.u32 $0x500, s1  }
0x9: {  	s1 =	rddreg [dreg:$0x2];
	_ =	strace $0x8000004D;
	s30 =	sshrl.u32 s10, $0x2  }
0xa: {  	s28 =	sadd.s32 s9, s8;
	s13 =	ssub.s32 s29, s31;
	s5 =	sadd.s32 s30, s2  }
0xb: {  	s13 =	smax.u32 s13, $0x1;
	s11 =	sadd.s32 s7, s6;
	s7 =	sshrl.u32 s28, $0x3  }
0xc: {  	s8 =	sadd.s32 $0xC000, s5;
	s9 =	sadd.s32 $0x10000, s5;
	s20 =	sshrl.u32 s5, $0x3  }
0xd: {  	s12 =	sadd.s32 s7, s6;
	s6 =	sadd.s32 $0x4000, s5;
	s7 =	sadd.s32 $0x8000, s5  }
0xe: {  	v0 =	vimm.f32 $0.0e+00;
	s10 =	sadd.s32 $0x60C00, s11;
	s11 =	sadd.s32 $0x6C00, s11;
	s12 =	sadd.s32 $0x91E00, s12  }
.LBB2_1:
0xf: {  	s21 =	simm.s32 $0x0;
	s22 =	simm.s32 $0x200  }
.LBB2_2:
0x10: {  	p0 =	sne.s32 s22, $0xFE00;
	[tilespmem:s21+$0x5070] =	vst v0  }
0x11: {  	[tilespmem:s21+$0x5000] =	vst v0  }
0x12: {  	[tilespmem:s21+$0x5010] =	vst v0  }
.Ltmp0:
0x13: {  	[tilespmem:s21+$0x5020] =	vst v0;
	(pc) =	sbr.rel @p0 .LBB2_2-.Ltmp0, $4  }
0x14: {  	[tilespmem:s21+$0x5030] =	vst v0  }
0x15: {  	[tilespmem:s21+$0x5040] =	vst v0  }
0x16: {  	[tilespmem:s21+$0x5050] =	vst v0  }
0x17: {  	[tilespmem:s21+$0x5060] =	vst v0;
	s21 =	sshra.s32 s22, $0x2;
	s22 =	sadd.s32 $0x200, s22  }
0x18: {  	[tilespmem:s21+$0x5070] =	vst v0  }
0x19: {  	[tilespmem:s21+$0x5000] =	vst v0  }
0x1a: {  	[tilespmem:s21+$0x5010] =	vst v0  }
0x1b: {  	[tilespmem:s21+$0x5020] =	vst v0  }
0x1c: {  	[tilespmem:s21+$0x5030] =	vst v0  }
0x1d: {  	[tilespmem:s21+$0x5040] =	vst v0  }
0x1e: {  	[tilespmem:s21+$0x5050] =	vst v0  }
0x1f: {  	[tilespmem:s21+$0x5060] =	vst v0  }
0x20: {  	[spmem:s5] =	stream.linear.scatter [tilespmem:s14], [sflag:$0x2], $0x4000, $0x38;
	[tilespmem:$0x1D000] =	vst v63  }
0x21: {  	_ =	swait.ge [sflag:s15], $0x4000  }
0x22: {  	[sflag:s15] =	ssyncset.done $0x0  }
0x23: {  	[sflag:s15] =	ssyncadd.s32 $0xFFFFC000  }
0x24: {  	[spmem:s6] =	stream.linear.scatter [tilespmem:s14], [sflag:$0x2], $0x4000, $0x38;
	[tilespmem:$0x1D000] =	vst v63  }
0x25: {  	_ =	swait.ge [sflag:s15], $0x4000  }
0x26: {  	[sflag:s15] =	ssyncset.done $0x0  }
0x27: {  	[sflag:s15] =	ssyncadd.s32 $0xFFFFC000  }
0x28: {  	[spmem:s7] =	stream.linear.scatter [tilespmem:s14], [sflag:$0x2], $0x4000, $0x38;
	[tilespmem:$0x1D000] =	vst v63  }
0x29: {  	_ =	swait.ge [sflag:s15], $0x4000  }
0x2a: {  	[sflag:s15] =	ssyncset.done $0x0  }
0x2b: {  	[sflag:s15] =	ssyncadd.s32 $0xFFFFC000  }
0x2c: {  	[spmem:s8] =	stream.linear.scatter [tilespmem:s14], [sflag:$0x2], $0x4000, $0x38;
	[tilespmem:$0x1D000] =	vst v63  }
0x2d: {  	_ =	swait.ge [sflag:s15], $0x4000  }
0x2e: {  	[sflag:s15] =	ssyncset.done $0x0  }
0x2f: {  	[sflag:s15] =	ssyncadd.s32 $0xFFFFC000  }
0x30: {  	[spmem:s9] =	stream.linear.scatter [tilespmem:s14], [sflag:$0x2], $0x4000, $0x38;
	[tilespmem:$0x1D000] =	vst v63  }
0x31: {  	_ =	swait.ge [sflag:s15], $0x4000  }
0x32: {  	[sflag:s15] =	ssyncset.done $0x0  }
0x33: {  	[sflag:s15] =	ssyncadd.s32 $0xFFFFC000  }
0x34: {  	s29 =	simm.s32 $0x0;
	[bflag:$0x0] =	sbarrier.arrive $0xFFFF  }
0x35: {  	[tilespmem:s29], [sflag:$0x2] =	stream.linear.gather [hbm4b:s10+s29], $0x2800, $0x38;
	[tilespmem:$0x1D000] =	vst v63  }
0x36: {  	_ =	swait.ge [sflag:s15], $0x2800  }
0x37: {  	[sflag:s15] =	ssyncset.done $0x0  }
0x38: {  	[sflag:s15] =	ssyncadd.s32 $0xFFFFD800  }
0x39: {  	[tilespmem:s16], [sflag:$0x2] =	stream.linear.gather [hbm4b:s11+s29], $0x2800, $0x38;
	[tilespmem:$0x1D000] =	vst v63  }
0x3a: {  	_ =	swait.ge [sflag:s15], $0x2800  }
0x3b: {  	[sflag:s15] =	ssyncset.done $0x0  }
0x3c: {  	s30 =	simm.s32 $0x0;
	[sflag:s15] =	ssyncadd.s32 $0xFFFFD800  }
0x3d: {  	[tilespmem:s14], [sflag:$0x1] =	stream.indirect.gather [hbm4b:s4+s17], $0x80, s30, s17, $0xb8;
	[tilespmem:$0x1D000] =	vst v63  }
0x3e: {  	_ =	swait.ge [sflag:s18], $0x4000  }
0x3f: {  	[sflag:s18] =	ssyncset.done $0x0  }
0x40: {  	s31 =	simm.s32 $0x2800;
	[sflag:s18] =	ssyncadd.s32 $0xFFFFC000  }
0x41: {  	[spmem:s2] =	stream.indirect.scatter.add.f32 [tilespmem:s14], [sflag:$0x2], $0x80, s31, s17, $0xb8;
	[tilespmem:$0x1D000] =	vst v63  }
0x42: {  	_ =	swait.ge [sflag:s15], $0x4000  }
0x43: {  	s21 =	simm.s32 $0x200;
	s22 =	simm.s32 $0x400;
	[sflag:s15] =	ssyncset.done $0x0  }
.LBB2_4:
0x44: {  	s23 =	sshra.s32 s21, $0x2  }
0x45: {  	[sflag:s15] =	ssyncadd.s32 $0xFFFFC000;
	s21 =	smov.u32 s22;
	s24 =	sadd.s32 $0x200, s22  }
0x46: {  	[tilespmem:s14], [sflag:$0x1] =	stream.indirect.gather [hbm4b:s4+s17], $0x80, s23, s17, $0xb8;
	[tilespmem:$0x1D000] =	vst v63  }
0x47: {  	p0 =	sne.s32 s22, $0x9C00;
	_ =	swait.ge [sflag:s18], $0x4000  }
.Ltmp1:
0x48: {  	[sflag:s18] =	ssyncset.done $0x0;
	(pc) =	sbr.rel @p0 .LBB2_4-.Ltmp1, $4  }
0x49: {  	s22 =	sadd.s32 $0x2800, s23;
	[sflag:s18] =	ssyncadd.s32 $0xFFFFC000  }
0x4a: {  	[spmem:s2] =	stream.indirect.scatter.add.f32 [tilespmem:s14], [sflag:$0x2], $0x80, s22, s17, $0xb8;
	[tilespmem:$0x1D000] =	vst v63  }
0x4b: {  	_ =	swait.ge [sflag:s15], $0x4000  }
0x4c: {  	s22 =	smov.u32 s24;
	[sflag:s15] =	ssyncset.done $0x0  }
0x4d: {  	s21 =	sshra.s32 s21, $0x2;
	[sflag:s15] =	ssyncadd.s32 $0xFFFFC000  }
0x4e: {  	[tilespmem:s14], [sflag:$0x1] =	stream.indirect.gather [hbm4b:s4+s17], $0x80, s21, s17, $0xb8;
	[tilespmem:$0x1D000] =	vst v63  }
0x4f: {  	_ =	swait.ge [sflag:s18], $0x4000  }
0x50: {  	[sflag:s18] =	ssyncset.done $0x0  }
0x51: {  	s21 =	sadd.s32 $0x2800, s21;
	[sflag:s18] =	ssyncadd.s32 $0xFFFFC000  }
0x52: {  	[spmem:s2] =	stream.indirect.scatter.add.f32 [tilespmem:s14], [sflag:$0x2], $0x80, s21, s17, $0xb8;
	[tilespmem:$0x1D000] =	vst v63  }
0x53: {  	_ =	swait.ge [sflag:s15], $0x4000  }
0x54: {  	s3 =	sadd.s32 $0x1, s3;
	[sflag:s15] =	ssyncset.done $0x0  }
0x55: {  	p0 =	sne.s32 s3, s13;
	[sflag:s15] =	ssyncadd.s32 $0xFFFFC000  }
.Ltmp2:
0x56: {  	[bflag:$0x0] =	sbarrier.arrive $0xFFFF;
	(pc) =	sbr.rel @p0 .LBB2_1-.Ltmp2, $4  }
0x57: {  	[hbm:s12], [sflag:s19] =	dma.local [spmem:s20], $0x2800  }
0x58: {  	_ =	swait.ge [sflag:s15], $0x2800  }
0x59: {  	[sflag:s15] =	ssyncset.done $0x0  }
0x5a: {  	[sflag:s15] =	ssyncadd.s32 $0xFFFFD800  }
0x5b: {  	_ =	sfence.sel $0x180000  }
0x5c: {  	[bflag:$0x0] =	sbarrier.arrive $0xFFFF  }
0x5d: {  	p0 =	sne.s32 s0, $0x0;
	_ =	strace $0x9000004D  }
0x5e: {  	s0 =	sadd.s32 @!p0 $0x100000, s1;
	[bflag:$0x2] =	sbarrier.arrive $0xFFFF  }
0x5f: {  	[sflag:s0] =	ssyncadd.tile.s32 @!p0 $0x1;
	_ =	shalt  }
.Lfunc_end2:
_tile_overlayer_lowered:
.L_overlay_start_2:
0x60: {  	(tag) =	ssettag $0x2  }
0x61: {  	s0 =	rddreg [dreg:$0x0];
	s2 =	stileid.u32  }
0x62: {  	s1 =	rddreg [dreg:$0x1];
	p0 =	sne.s32 s2, $0x0  }
0x63: {  	s3 =	rddreg [dreg:$0x2];
	[bflag:$0x3] =	sbarrier.arrive $0xFFFF;
	s2 =	simm.s32 @!p0 $0x1C02  }
0x64: {  	[timem:s3], [sflag:s2] =	dma.local @!p0 [hbm:s0], s1  }
0x65: {  	s0 =	simm.s32 @!p0 $0x2  }
0x66: {  	_ =	swait.ge @!p0 [sflag:s0], s1  }
0x67: {  	s1 =	ssub.s32 @!p0 $0x0, s1;
	[sflag:s0] =	ssyncset.done @!p0 $0x0  }
0x68: {  	[sflag:s0] =	ssyncadd.s32 @!p0 s1  }
0x69: {  	[bflag:$0x3] =	sbarrier.arrive $0xFFFF  }
0x6a: {  	_ =	shalt  }

// kernel: kernel.24.cloned.1.call-start
scs
__scs_entry_jumppad:
0x0: {  	(pc) =	sbr.rel $0x88, $3  }
0x1: {  	(tag) =	ssettag $0x0;
	lr =	simm.s32 $0x1  }
0x2: {  	[smem:$0x3F8E] =	sst lr;
	_ =	strace $0xD0000000  }
0x3: {  	_ = 	snop  }
0x4: {  	_ = 	snop  }
0x5: {  	_ = 	snop  }
0x6: {  	_ = 	snop  }
0x7: {  	_ = 	snop  }
__scs_overlays_trampoline_lowered:
0x8: {  	[smem:$0x3F9D] =	sst s0  }
0x9: {  	[smem:$0x3F9E] =	sst s1  }
0xa: {  	[smem:$0x3F9F] =	sst s2  }
0xb: {  	[smem:$0x3FA0] =	sst s3  }
0xc: {  	[smem:$0x3FA1] =	sst s4  }
0xd: {  	[smem:$0x3FA2] =	sst s5  }
0xe: {  	[smem:$0x3FA3] =	sst s6  }
0xf: {  	[smem:$0x3FA4] =	sst s7  }
0x10: {  	[smem:$0x3FA5] =	sst s8  }
0x11: {  	[smem:$0x3FA6] =	sst s9;
	s0 =	simm.s32 @!p0 $0x0  }
0x12: {  	s1 =	sld [smem:$0x3F8C];
	s0 =	simm.s32 @p0 $0x1  }
0x13: {  	[smem:$0x3FA7] =	sst s0;
	s0 =	simm.s32 @!p1 $0x0  }
0x14: {  	s2 =	sld [smem:$0x3F8B];
	s0 =	simm.s32 @p1 $0x1  }
0x15: {  	[smem:$0x3FA8] =	sst s0;
	s0 =	simm.s32 @!p2 $0x0  }
0x16: {  	s3 =	sld [smem:$0x3FDB];
	s0 =	simm.s32 @p2 $0x1  }
0x17: {  	s4 =	simm.s32 $0x1BF5;
	[smem:$0x3FAA] =	sst s0  }
0x18: {  	s0 =	sld [smem:$0x3F8D];
	_ =	swait.ge [sflag:s4], $0x0  }
0x19: {  	s7 =	sld [smem:$0x3F8E]  }
0x1a: {  	s8 =	sadd.s32 $0xFFFFE003, lr  }
0x1b: {  	s9 =	sadd.s32 $0xFFFFFEF7, lr;
	s5 =	simm.s32 $0xFFFFFFFF;
	p2 =	slt.u32 s8, $0xFFFFF086  }
0x1c: {  	p1 =	slt.u32 s9, $0xF7A;
	s5 =	simm.s32 @!p2 $0x0  }
0x1d: {  	s5 =	simm.s32 @p1 $0x1;
	p0 =	seq.s32 s7, s2  }
0x1e: {  	s7 =	smul.u32 @!p0 $0xF7A, s2;
	p2 =	seq.s32 @!p0 s5, $0x0  }
0x1f: {  	s9 =	smul.u32 $0xF7A, s1;
	s8 =	simm.s32 @!p0 $0x1BF5;
	p2 =	por !p2, p0  }
0x20: {  	[sflag:s8] =	ssyncset.s32 @!p0 $0xFFFFF086;
	s6 =	sadd.s32 @!p0 s3, s7;
	s7 =	simm.s32 @!p0 $0x108  }
0x21: {  	s3 =	sadd.s32 s3, s9;
	s6 =	sadd.s32 @!p0 $0x88, s6;
	s7 =	simm.s32 @p2 $0x1082  }
0x22: {  	[simem:s7], [sflag:s8] =	dma.local @!p0 [hbm:s6], $0xF7A  }
0x23: {  	s9 =	sor.u32 $0xD0000000, s2;
	s6 =	simm.s32 $0x108;
	_ =	swait.ge @!p0 [sflag:s8], $0x0  }
0x24: {  	s3 =	sadd.s32 $0x88, s3;
	s6 =	simm.s32 @!p1 $0x1082;
	[sflag:s4] =	ssyncset.s32 $0xFFFFF086  }
0x25: {  	[simem:s6], [sflag:s4] =	dma.local [hbm:s3], $0xF7A  }
0x26: {  	[smem:$0x3F8E] =	sst s1;
	(tag) =	ssettag s2;
	_ =	strace s9  }
0x27: {  	s1 =	sld [smem:$0x3F9E]  }
0x28: {  	s2 =	sld [smem:$0x3F9F]  }
0x29: {  	s4 =	sld [smem:$0x3FA1]  }
0x2a: {  	p0 =	seq.s32 s5, $0x0;
	s5 =	sld [smem:$0x3FA2]  }
0x2b: {  	s6 =	sld [smem:$0x3FA3]  }
0x2c: {  	s7 =	sld [smem:$0x3FA4]  }
0x2d: {  	s3 =	simm.s32 $0x108;
	s8 =	sld [smem:$0x3FA5]  }
0x2e: {  	s3 =	simm.s32 @!p0 $0x1082;
	s9 =	sld [smem:$0x3FA6]  }
0x2f: {  	lr =	sadd.s32 s0, s3;
	s0 =	sld [smem:$0x3F9D]  }
0x30: {  	s3 =	sld [smem:$0x3FA0]  }
0x31: {  	[smem:$0x3FA9] =	sst s10  }
0x32: {  	s10 =	sld [smem:$0x3FA7];
	_ =	sdelay $0x3  }
0x33: {  	p0 =	seq.s32 s10, $0x1;
	s10 =	sld [smem:$0x3FA9];
	_ =	sdelay $0x3  }
0x34: {  	[smem:$0x3FA9] =	sst s10  }
0x35: {  	s10 =	sld [smem:$0x3FA8];
	_ =	sdelay $0x3  }
0x36: {  	p1 =	seq.s32 s10, $0x1;
	s10 =	sld [smem:$0x3FA9];
	_ =	sdelay $0x3  }
0x37: {  	[smem:$0x3FA9] =	sst s10  }
0x38: {  	s10 =	sld [smem:$0x3FAA]  }
0x39: {  	_ = 	snop;
	(pc) =	sbr.ind lr, $3  }
0x3a: {  	_ = 	snop  }
0x3b: {  	_ = 	snop  }
0x3c: {  	p2 =	seq.s32 s10, $0x1;
	s10 =	sld [smem:$0x3FA9]  }
0x3d: {  	_ =	shalt  }
0x3e: {  	_ =	shalt  }
0x3f: {  	_ =	shalt  }
0x40: {  	_ =	shalt  }
0x41: {  	_ =	shalt  }
0x42: {  	_ =	shalt  }
0x43: {  	_ =	shalt  }
0x44: {  	_ =	shalt  }
0x45: {  	_ =	shalt  }
0x46: {  	_ =	shalt  }
0x47: {  	_ =	shalt  }
0x48: {  	_ =	shalt  }
0x49: {  	_ =	shalt  }
0x4a: {  	_ =	shalt  }
0x4b: {  	_ =	shalt  }
0x4c: {  	_ =	shalt  }
0x4d: {  	_ =	shalt  }
0x4e: {  	_ =	shalt  }
0x4f: {  	_ =	shalt  }
0x50: {  	_ =	shalt  }
0x51: {  	_ =	shalt  }
0x52: {  	_ =	shalt  }
0x53: {  	_ =	shalt  }
0x54: {  	_ =	shalt  }
0x55: {  	_ =	shalt  }
0x56: {  	_ =	shalt  }
0x57: {  	_ =	shalt  }
0x58: {  	_ =	shalt  }
0x59: {  	_ =	shalt  }
0x5a: {  	_ =	shalt  }
0x5b: {  	_ =	shalt  }
0x5c: {  	_ =	shalt  }
0x5d: {  	_ =	shalt  }
0x5e: {  	_ =	shalt  }
0x5f: {  	_ =	shalt  }
0x60: {  	_ =	shalt  }
0x61: {  	_ =	shalt  }
0x62: {  	_ =	shalt  }
0x63: {  	_ =	shalt  }
0x64: {  	_ =	shalt  }
0x65: {  	_ =	shalt  }
0x66: {  	_ =	shalt  }
0x67: {  	_ =	shalt  }
0x68: {  	_ =	shalt  }
0x69: {  	_ =	shalt  }
0x6a: {  	_ =	shalt  }
0x6b: {  	_ =	shalt  }
0x6c: {  	_ =	shalt  }
0x6d: {  	_ =	shalt  }
0x6e: {  	_ =	shalt  }
0x6f: {  	_ =	shalt  }
0x70: {  	_ =	shalt  }
0x71: {  	_ =	shalt  }
0x72: {  	_ =	shalt  }
0x73: {  	_ =	shalt  }
0x74: {  	_ =	shalt  }
0x75: {  	_ =	shalt  }
0x76: {  	_ =	shalt  }
0x77: {  	_ =	shalt  }
0x78: {  	_ =	shalt  }
0x79: {  	_ =	shalt  }
0x7a: {  	_ =	shalt  }
0x7b: {  	_ =	shalt  }
0x7c: {  	_ =	shalt  }
0x7d: {  	_ =	shalt  }
0x7e: {  	_ =	shalt  }
0x7f: {  	_ =	shalt  }
0x80: {  	_ =	shalt  }
0x81: {  	_ =	shalt  }
0x82: {  	_ =	shalt  }
0x83: {  	_ =	shalt  }
0x84: {  	_ =	shalt  }
0x85: {  	_ =	shalt  }
0x86: {  	_ =	shalt  }
0x87: {  	_ =	shalt  }
.Lfunc_end0:
.L_simem_size_0:
called_computation.3_lowered:
.L_overlay_start_0:
0x88: {  	s2 =	sld [smem:$0x3FD9]  }
0x89: {  	s3 =	sld [smem:$0x3FFE];
	_ =	sdelay $0x1  }
0x8a: {  	s1 =	srdreg.scid  }
0x8b: {  	s0 =	sand.u32 $0x1, s1  }
0x8c: {  	s16 =	sshll.u32 s0, $0xA;
	s2 =	sadd.s32 s3, s2  }
0x8d: {  	s2 =	sadd.s32 s2, s16  }
0x8e: {  	[smem:$0x3FB5] =	sst s2  }
0x8f: {  	_ = 	snop  }
0x90: {  	(tm) =	ssettm $0x1  }
0x91: {  	s17 =	sld [smem:$0x3FFB];
	_ =	sdelay $0x3  }
0x92: {  	_ =	strace s17  }
0x93: {  	s2 =	sld [smem:$0x3FFC];
	_ =	sdelay $0x3  }
0x94: {  	_ =	strace s2  }
0x95: {  	s2 =	sld [smem:$0x3FFD];
	_ =	sdelay $0x3  }
0x96: {  	_ =	strace s2  }
0x97: {  	_ =	strace $0x8FFFFFFF  }
0x98: {  	s18 =	sld [smem:$0x3FDB];
	_ =	sdelay $0x1  }
0x99: {  	s19 =	simm.s32 $_scs_section_size  }
0x9a: {  	s4 =	simm.s32 $_size__tile_overlayer_lowered;
	s5 =	simm.s32 $_tile_overlayer_lowered  }
0x9b: {  	s22 =	simm.s32 $0x1BFF;
	s21 =	sshll.u32 s5, $0x1;
	s2 =	sadd.s32 s19, s18  }
0x9c: {  	s6 =	simm.s32 $0x0;
	s20 =	sshll.u32 s4, $0x1;
	s4 =	sadd.s32 s21, s2  }
0x9d: {  	[timem:s6], [sflag:s22] =	dma.local [hbm:s4], s20  }
0x9e: {  	_ =	swait.ge [sflag:s22], s20  }
0x9f: {  	s3 =	ssub.s32 $0x0, s20;
	[sflag:s22] =	ssyncset.done $0x0  }
0xa0: {  	[sflag:s22] =	ssyncadd.s32 s3;
	_ =	sdelay $0x1  }
0xa1: {  	s23 =	simm.s32 $0x1B8B  }
0xa2: {  	_ =	swait.ge [sflag:s23], $0x1  }
0xa3: {  	[sflag:s23] =	ssyncset.done $0x0  }
0xa4: {  	s25 =	simm.s32 $0x1B8E;
	s24 =	sld [smem:$0x3FFE];
	[sflag:s23] =	ssyncadd.s32 $0xFFFFFFFF  }
0xa5: {  	s26 =	simm.s32 $execute0_lowered;
	[smem:$0x3FD2] =	sst s25  }
0xa6: {  	s4 =	sshll.u32 s26, $0x1;
	_ =	strace $0x8000004F;
	[dreg:$0x1] =	wrdreg $0xFFFFFFFF  }
0xa7: {  	s28 =	simm.s32 $_size_execute0_lowered;
	s2 =	sadd.s32 s2, s4;
	[dreg:$0x0] =	wrdreg $0x0  }
0xa8: {  	s4 =	sshll.u32 s28, $0x1;
	[dreg:$0x2] =	wrdreg s2  }
0xa9: {  	[dreg:$0x3] =	wrdreg s4  }
0xaa: {  	[dreg:$0x4] =	wrdreg $0xC0  }
0xab: {  	_ =	task [dreg:s6], $0x5FFFF  }
0xac: {  	[dreg:$0x1] =	wrdreg $0xFFFFFFFF  }
0xad: {  	[dreg:$0x0] =	wrdreg $0x60  }
0xae: {  	[dreg:$0x2] =	wrdreg s24  }
0xaf: {  	[dreg:$0x3] =	wrdreg $0x90000  }
0xb0: {  	[dreg:$0x4] =	wrdreg $0x9  }
0xb1: {  	_ =	task.clear_ibuf [dreg:s6], $0x5FFFF;
	_ =	strace $0x9000004F  }
0xb2: {  	s29 =	simm.s32 $0x9;
	_ =	strace $0x80000051  }
0xb3: {  	_ =	swait.ge [sflag:s29], $0x1  }
0xb4: {  	[sflag:s29] =	ssyncadd.s32 $0xFFFFFFFF  }
0xb5: {  	_ =	strace $0x90000051  }
0xb6: {  	_ =	sfence  }
0xb7: {  	s30 =	sld [smem:$0x0];
	_ =	sdelay $0x2  }
0xb8: {  	s31 =	sshll.u32 s1, $0xD;
	s1 =	sshrl.u32 s1, $0x2  }
0xb9: {  	s3 =	sand.u32 $0x4000, s31;
	s1 =	sadd.s32 s1, s30  }
0xba: {  	s0 =	sor.u32 s3, s0;
	s1 =	sshll.u32 s1, $0x11  }
0xbb: {  	s0 =	sor.u32 s1, s0  }
0xbc: {  	s0 =	sadd.s32 $0x8F2B, s0  }
0xbd: {  	[sflag:s0] =	ssyncadd.remote.s32 $0x1  }
0xbe: {  	_ =	sfence.sel $0xFFFF  }
0xbf: {  	[dreg:$0x0] =	wrdreg $0xFFFFFFFF;
	(pc) =	sbr.abs _section_cstart, $3  }
0xc0: {  	[dreg:$0x1] =	wrdreg $0xFFFFFFFF  }
0xc1: {  	_ =	task.clear_ibuf [dreg:s6], $0x2FFFF;
	_ =	strace $0x9FFFFFFF  }
0xc2: {  	(tm) =	ssettm $0x7FFFFFFF  }
0xc3: {  	_ =	shalt  }
tec
execute0_lowered:
.L_overlay_start_1:
0x0: {  	(tag) =	ssettag $0x1  }
0x1: {  	s0 =	srdreg.scid;
	s6 =	rddreg [dreg:$0x0]  }
0x2: {  	s2 =	rddreg [dreg:$0x1];
	s3 =	simm.s32 $0x0;
	s14 =	simm.s32 $0x5000  }
0x3: {  	s15 =	simm.s32 $0x2;
	s16 =	simm.s32 $0x2800;
	s5 =	sand.u32 $0x1, s0  }
0x4: {  	s17 =	simm.s32 $0x80;
	s0 =	stileid.u32;
	s8 =	smul.u32 $0x140000, s5  }
0x5: {  	s18 =	simm.s32 $0x1;
	[smem:$0x7FF] =	sst s3;
	s9 =	smul.u32 $0x14000, s0  }
0x6: {  	s4 =	sadd.s32 $0x10C00, s6;
	s1 =	sshll.u32 s5, $0x4;
	s10 =	smul.u32 $0x50000, s0  }
0x7: {  	s29 =	ssub.s32 $0x2, s5;
	s19 =	sshll.u32 s0, $0x6;
	s1 =	sor.u32 s0, s1  }
0x8: {  	s31 =	sshrl.u32 s29, $0x1;
	s19 =	sor.u32 $0x1C02, s19;
	s7 =	smul.u32 $0x500, s1  }
0x9: {  	s1 =	rddreg [dreg:$0x2];
	_ =	strace $0x80000050;
	s30 =	sshrl.u32 s10, $0x2  }
0xa: {  	s28 =	sadd.s32 s9, s8;
	s13 =	ssub.s32 s29, s31;
	s5 =	sadd.s32 s30, s2  }
0xb: {  	s13 =	smax.u32 s13, $0x1;
	s11 =	sadd.s32 s7, s6;
	s7 =	sshrl.u32 s28, $0x3  }
0xc: {  	s8 =	sadd.s32 $0xC000, s5;
	s9 =	sadd.s32 $0x10000, s5;
	s20 =	sshrl.u32 s5, $0x3  }
0xd: {  	s12 =	sadd.s32 s7, s6;
	s6 =	sadd.s32 $0x4000, s5;
	s7 =	sadd.s32 $0x8000, s5  }
0xe: {  	v0 =	vimm.f32 $0.0e+00;
	s10 =	sadd.s32 $0x60C00, s11;
	s11 =	sadd.s32 $0x6C00, s11;
	s12 =	sadd.s32 $0x6AC00, s12  }
.LBB2_1:
0xf: {  	s21 =	simm.s32 $0x0;
	s22 =	simm.s32 $0x200  }
.LBB2_2:
0x10: {  	p0 =	sne.s32 s22, $0xFE00;
	[tilespmem:s21+$0x5070] =	vst v0  }
0x11: {  	[tilespmem:s21+$0x5000] =	vst v0  }
0x12: {  	[tilespmem:s21+$0x5010] =	vst v0  }
.Ltmp0:
0x13: {  	[tilespmem:s21+$0x5020] =	vst v0;
	(pc) =	sbr.rel @p0 .LBB2_2-.Ltmp0, $4  }
0x14: {  	[tilespmem:s21+$0x5030] =	vst v0  }
0x15: {  	[tilespmem:s21+$0x5040] =	vst v0  }
0x16: {  	[tilespmem:s21+$0x5050] =	vst v0  }
0x17: {  	[tilespmem:s21+$0x5060] =	vst v0;
	s21 =	sshra.s32 s22, $0x2;
	s22 =	sadd.s32 $0x200, s22  }
0x18: {  	[tilespmem:s21+$0x5070] =	vst v0  }
0x19: {  	[tilespmem:s21+$0x5000] =	vst v0  }
0x1a: {  	[tilespmem:s21+$0x5010] =	vst v0  }
0x1b: {  	[tilespmem:s21+$0x5020] =	vst v0  }
0x1c: {  	[tilespmem:s21+$0x5030] =	vst v0  }
0x1d: {  	[tilespmem:s21+$0x5040] =	vst v0  }
0x1e: {  	[tilespmem:s21+$0x5050] =	vst v0  }
0x1f: {  	[tilespmem:s21+$0x5060] =	vst v0  }
0x20: {  	[spmem:s5] =	stream.linear.scatter [tilespmem:s14], [sflag:$0x2], $0x4000, $0x38;
	[tilespmem:$0x1D000] =	vst v63  }
0x21: {  	_ =	swait.ge [sflag:s15], $0x4000  }
0x22: {  	[sflag:s15] =	ssyncset.done $0x0  }
0x23: {  	[sflag:s15] =	ssyncadd.s32 $0xFFFFC000  }
0x24: {  	[spmem:s6] =	stream.linear.scatter [tilespmem:s14], [sflag:$0x2], $0x4000, $0x38;
	[tilespmem:$0x1D000] =	vst v63  }
0x25: {  	_ =	swait.ge [sflag:s15], $0x4000  }
0x26: {  	[sflag:s15] =	ssyncset.done $0x0  }
0x27: {  	[sflag:s15] =	ssyncadd.s32 $0xFFFFC000  }
0x28: {  	[spmem:s7] =	stream.linear.scatter [tilespmem:s14], [sflag:$0x2], $0x4000, $0x38;
	[tilespmem:$0x1D000] =	vst v63  }
0x29: {  	_ =	swait.ge [sflag:s15], $0x4000  }
0x2a: {  	[sflag:s15] =	ssyncset.done $0x0  }
0x2b: {  	[sflag:s15] =	ssyncadd.s32 $0xFFFFC000  }
0x2c: {  	[spmem:s8] =	stream.linear.scatter [tilespmem:s14], [sflag:$0x2], $0x4000, $0x38;
	[tilespmem:$0x1D000] =	vst v63  }
0x2d: {  	_ =	swait.ge [sflag:s15], $0x4000  }
0x2e: {  	[sflag:s15] =	ssyncset.done $0x0  }
0x2f: {  	[sflag:s15] =	ssyncadd.s32 $0xFFFFC000  }
0x30: {  	[spmem:s9] =	stream.linear.scatter [tilespmem:s14], [sflag:$0x2], $0x4000, $0x38;
	[tilespmem:$0x1D000] =	vst v63  }
0x31: {  	_ =	swait.ge [sflag:s15], $0x4000  }
0x32: {  	[sflag:s15] =	ssyncset.done $0x0  }
0x33: {  	[sflag:s15] =	ssyncadd.s32 $0xFFFFC000  }
0x34: {  	s29 =	simm.s32 $0x0;
	[bflag:$0x0] =	sbarrier.arrive $0xFFFF  }
0x35: {  	[tilespmem:s29], [sflag:$0x2] =	stream.linear.gather [hbm4b:s10+s29], $0x2800, $0x38;
	[tilespmem:$0x1D000] =	vst v63  }
0x36: {  	_ =	swait.ge [sflag:s15], $0x2800  }
0x37: {  	[sflag:s15] =	ssyncset.done $0x0  }
0x38: {  	[sflag:s15] =	ssyncadd.s32 $0xFFFFD800  }
0x39: {  	[tilespmem:s16], [sflag:$0x2] =	stream.linear.gather [hbm4b:s11+s29], $0x2800, $0x38;
	[tilespmem:$0x1D000] =	vst v63  }
0x3a: {  	_ =	swait.ge [sflag:s15], $0x2800  }
0x3b: {  	[sflag:s15] =	ssyncset.done $0x0  }
0x3c: {  	s30 =	simm.s32 $0x0;
	[sflag:s15] =	ssyncadd.s32 $0xFFFFD800  }
0x3d: {  	[tilespmem:s14], [sflag:$0x1] =	stream.indirect.gather [hbm4b:s4+s17], $0x80, s30, s17, $0xb8;
	[tilespmem:$0x1D000] =	vst v63  }
0x3e: {  	_ =	swait.ge [sflag:s18], $0x4000  }
0x3f: {  	[sflag:s18] =	ssyncset.done $0x0  }
0x40: {  	s31 =	simm.s32 $0x2800;
	[sflag:s18] =	ssyncadd.s32 $0xFFFFC000  }
0x41: {  	[spmem:s2] =	stream.indirect.scatter.add.f32 [tilespmem:s14], [sflag:$0x2], $0x80, s31, s17, $0xb8;
	[tilespmem:$0x1D000] =	vst v63  }
0x42: {  	_ =	swait.ge [sflag:s15], $0x4000  }
0x43: {  	s21 =	simm.s32 $0x200;
	s22 =	simm.s32 $0x400;
	[sflag:s15] =	ssyncset.done $0x0  }
.LBB2_4:
0x44: {  	s23 =	sshra.s32 s21, $0x2  }
0x45: {  	[sflag:s15] =	ssyncadd.s32 $0xFFFFC000;
	s21 =	smov.u32 s22;
	s24 =	sadd.s32 $0x200, s22  }
0x46: {  	[tilespmem:s14], [sflag:$0x1] =	stream.indirect.gather [hbm4b:s4+s17], $0x80, s23, s17, $0xb8;
	[tilespmem:$0x1D000] =	vst v63  }
0x47: {  	p0 =	sne.s32 s22, $0x9C00;
	_ =	swait.ge [sflag:s18], $0x4000  }
.Ltmp1:
0x48: {  	[sflag:s18] =	ssyncset.done $0x0;
	(pc) =	sbr.rel @p0 .LBB2_4-.Ltmp1, $4  }
0x49: {  	s22 =	sadd.s32 $0x2800, s23;
	[sflag:s18] =	ssyncadd.s32 $0xFFFFC000  }
0x4a: {  	[spmem:s2] =	stream.indirect.scatter.add.f32 [tilespmem:s14], [sflag:$0x2], $0x80, s22, s17, $0xb8;
	[tilespmem:$0x1D000] =	vst v63  }
0x4b: {  	_ =	swait.ge [sflag:s15], $0x4000  }
0x4c: {  	s22 =	smov.u32 s24;
	[sflag:s15] =	ssyncset.done $0x0  }
0x4d: {  	s21 =	sshra.s32 s21, $0x2;
	[sflag:s15] =	ssyncadd.s32 $0xFFFFC000  }
0x4e: {  	[tilespmem:s14], [sflag:$0x1] =	stream.indirect.gather [hbm4b:s4+s17], $0x80, s21, s17, $0xb8;
	[tilespmem:$0x1D000] =	vst v63  }
0x4f: {  	_ =	swait.ge [sflag:s18], $0x4000  }
0x50: {  	[sflag:s18] =	ssyncset.done $0x0  }
0x51: {  	s21 =	sadd.s32 $0x2800, s21;
	[sflag:s18] =	ssyncadd.s32 $0xFFFFC000  }
0x52: {  	[spmem:s2] =	stream.indirect.scatter.add.f32 [tilespmem:s14], [sflag:$0x2], $0x80, s21, s17, $0xb8;
	[tilespmem:$0x1D000] =	vst v63  }
0x53: {  	_ =	swait.ge [sflag:s15], $0x4000  }
0x54: {  	s3 =	sadd.s32 $0x1, s3;
	[sflag:s15] =	ssyncset.done $0x0  }
0x55: {  	p0 =	sne.s32 s3, s13;
	[sflag:s15] =	ssyncadd.s32 $0xFFFFC000  }
.Ltmp2:
0x56: {  	[bflag:$0x0] =	sbarrier.arrive $0xFFFF;
	(pc) =	sbr.rel @p0 .LBB2_1-.Ltmp2, $4  }
0x57: {  	[hbm:s12], [sflag:s19] =	dma.local [spmem:s20], $0x2800  }
0x58: {  	_ =	swait.ge [sflag:s15], $0x2800  }
0x59: {  	[sflag:s15] =	ssyncset.done $0x0  }
0x5a: {  	[sflag:s15] =	ssyncadd.s32 $0xFFFFD800  }
0x5b: {  	_ =	sfence.sel $0x180000  }
0x5c: {  	[bflag:$0x0] =	sbarrier.arrive $0xFFFF  }
0x5d: {  	p0 =	sne.s32 s0, $0x0;
	_ =	strace $0x90000050  }
0x5e: {  	s0 =	sadd.s32 @!p0 $0x100000, s1;
	[bflag:$0x2] =	sbarrier.arrive $0xFFFF  }
0x5f: {  	[sflag:s0] =	ssyncadd.tile.s32 @!p0 $0x1;
	_ =	shalt  }
.Lfunc_end2:
_tile_overlayer_lowered:
.L_overlay_start_2:
0x60: {  	(tag) =	ssettag $0x2  }
0x61: {  	s0 =	rddreg [dreg:$0x0];
	s2 =	stileid.u32  }
0x62: {  	s1 =	rddreg [dreg:$0x1];
	p0 =	sne.s32 s2, $0x0  }
0x63: {  	s3 =	rddreg [dreg:$0x2];
	[bflag:$0x3] =	sbarrier.arrive $0xFFFF;
	s2 =	simm.s32 @!p0 $0x1C02  }
0x64: {  	[timem:s3], [sflag:s2] =	dma.local @!p0 [hbm:s0], s1  }
0x65: {  	s0 =	simm.s32 @!p0 $0x2  }
0x66: {  	_ =	swait.ge @!p0 [sflag:s0], s1  }
0x67: {  	s1 =	ssub.s32 @!p0 $0x0, s1;
	[sflag:s0] =	ssyncset.done @!p0 $0x0  }
0x68: {  	[sflag:s0] =	ssyncadd.s32 @!p0 s1  }
0x69: {  	[bflag:$0x3] =	sbarrier.arrive $0xFFFF  }
0x6a: {  	_ =	shalt  }

</sc_bundles>
